<compile_context>
chip_gen: v7x
topology: tpu7x:2x2x1
jax: 0.10.2.dev20260603
libtpu: 0.0.44.dev20260713+nightly
codegen_flags: <defaults>
</compile_context>

<pallas_src>
import functools

import jax
import jax.numpy as jnp
from jax import lax
from jax.experimental import pallas as pl
from jax.experimental.pallas import tpu as pltpu
from jax.experimental.pallas import tpu_sc as plsc

NC = 2
NS = 16

N = 10000
NP = 10240
E = 320000
EP = 327680
CHN = 1024
CHUNKS = EP // CHN
RPS = NP // NS
DW = 8

SLOW_CID = 1
AGG_SLOW = 14
AGG_FAST = (CHUNKS - NS * AGG_SLOW) // NS
DEG_SLOW = 14
DEG_FAST = (CHUNKS - NS * DEG_SLOW) // NS
AGG_MAX = max(AGG_SLOW, AGG_FAST)
DEG_MAX = max(DEG_SLOW, DEG_FAST)


def _sc_mesh():
  return plsc.VectorSubcoreMesh(core_axis_name="c", subcore_axis_name="s")


def _zero_acc(acc_sh, zeros_hbm, sid):
  pltpu.sync_copy(zeros_hbm.at[pl.ds(sid * RPS, RPS)],
                  acc_sh.at[pl.ds(sid * RPS, RPS)])


def _copy_out(acc_sh, out_hbm, cid, sid):
  pltpu.sync_copy(acc_sh.at[pl.ds(sid * RPS, RPS)],
                  out_hbm.at[cid, pl.ds(sid * RPS, RPS)])


def _tile_span(cid, sid, n_slow, n_fast):
  slow = cid == SLOW_CID
  start = jnp.where(slow, sid * n_slow, NS * n_slow + sid * n_fast)
  count = jnp.where(slow, n_slow, n_fast)
  nmax = max(n_slow, n_fast)
  return start, jnp.minimum(start, CHUNKS - nmax), count


def _deg_body(dst_hbm, ones_hbm, zeros_hbm, out_hbm, dstv, ones_v, acc_sh,
              sem):
  cid = lax.axis_index("c")
  sid = lax.axis_index("s")
  _zero_acc(acc_sh, zeros_hbm, sid)
  start, cstart, count = _tile_span(cid, sid, DEG_SLOW, DEG_FAST)
  off = start - cstart
  pltpu.sync_copy(dst_hbm.at[pl.ds(cstart, DEG_MAX)], dstv)
  pltpu.sync_copy(ones_hbm, ones_v)
  plsc.subcore_barrier()

  def fire(c, _):
    pltpu.async_copy(ones_v, acc_sh.at[dstv.at[off + c]], sem, add=True)
    return 0

  def drain(c, _):
    pltpu.make_async_copy(ones_v, acc_sh.at[dstv.at[0]], sem).wait()
    return 0

  lax.fori_loop(0, count, fire, 0)
  lax.fori_loop(0, count, drain, 0)
  plsc.subcore_barrier()
  _copy_out(acc_sh, out_hbm, cid, sid)


def _make_deg_kernel():
  return pl.kernel(
      _deg_body,
      out_type=jax.ShapeDtypeStruct((NC, NP, DW), jnp.float32),
      mesh=_sc_mesh(),
      scratch_types=[
          pltpu.VMEM((DEG_MAX, CHN), jnp.int32),
          pltpu.VMEM((CHN, DW), jnp.float32),
          pltpu.VMEM_SHARED((NP, DW), jnp.float32),
          pltpu.SemaphoreType.DMA,
      ],
      compiler_params=pltpu.CompilerParams(use_tc_tiling_on_sc=False),
  )


def _agg_body(w, src_hbm, dst_hbm, g_hbm, zeros_hbm, out_hbm, srcv, dstv,
              rows, acc_sh, sg0, sg1, ss0, ss1):
  cid = lax.axis_index("c")
  sid = lax.axis_index("s")
  _zero_acc(acc_sh, zeros_hbm, sid)
  start, cstart, count = _tile_span(cid, sid, AGG_SLOW, AGG_FAST)
  off = start - cstart
  pltpu.sync_copy(src_hbm.at[pl.ds(cstart, AGG_MAX)], srcv)
  pltpu.sync_copy(dst_hbm.at[pl.ds(cstart, AGG_MAX)], dstv)
  plsc.subcore_barrier()

  def body(i, _):
    k0 = off + 2 * i
    k1 = k0 + 1

    @pl.when(i > 0)
    def _():
      pltpu.make_async_copy(rows.at[0], acc_sh.at[dstv.at[k0]], ss0).wait()

    pltpu.async_copy(g_hbm.at[srcv.at[k0]], rows.at[0], sg0)

    @pl.when(i > 0)
    def _():
      pltpu.make_async_copy(rows.at[1], acc_sh.at[dstv.at[k1]], ss1).wait()

    pltpu.async_copy(g_hbm.at[srcv.at[k1]], rows.at[1], sg1)

    pltpu.make_async_copy(g_hbm.at[srcv.at[k0]], rows.at[0], sg0).wait()
    pltpu.async_copy(rows.at[0], acc_sh.at[dstv.at[k0]], ss0, add=True)
    pltpu.make_async_copy(g_hbm.at[srcv.at[k1]], rows.at[1], sg1).wait()
    pltpu.async_copy(rows.at[1], acc_sh.at[dstv.at[k1]], ss1, add=True)
    return 0

  lax.fori_loop(0, count // 2, body, 0)
  pltpu.make_async_copy(rows.at[0], acc_sh.at[dstv.at[0]], ss0).wait()
  pltpu.make_async_copy(rows.at[1], acc_sh.at[dstv.at[1]], ss1).wait()
  plsc.subcore_barrier()
  _copy_out(acc_sh, out_hbm, cid, sid)


def _make_agg_kernel(w):
  return pl.kernel(
      functools.partial(_agg_body, w),
      out_type=jax.ShapeDtypeStruct((NC, NP, w), jnp.float32),
      mesh=_sc_mesh(),
      scratch_types=[
          pltpu.VMEM((AGG_MAX, CHN), jnp.int32),
          pltpu.VMEM((AGG_MAX, CHN), jnp.int32),
          pltpu.VMEM((2, CHN, w), jnp.float32),
          pltpu.VMEM_SHARED((NP, w), jnp.float32),
          pltpu.SemaphoreType.DMA,
          pltpu.SemaphoreType.DMA,
          pltpu.SemaphoreType.DMA,
          pltpu.SemaphoreType.DMA,
      ],
      compiler_params=pltpu.CompilerParams(use_tc_tiling_on_sc=False),
  )


def _prep_body(x_ref, w1_ref, degp_ref, g1_ref, d_ref):
  deg = degp_ref[0, :N, 0:1] + degp_ref[1, :N, 0:1] + 1.0
  d = lax.rsqrt(deg)
  h = jnp.dot(x_ref[...], w1_ref[...], preferred_element_type=jnp.float32)
  g1_ref[...] = h * d
  d_ref[...] = d


def _mid_body(acc_ref, g1_ref, d_ref, b1_ref, w2_ref, g2_ref):
  d = d_ref[...]
  acc = acc_ref[0, :N, :] + acc_ref[1, :N, :] + g1_ref[...]
  out1 = jnp.maximum(acc * d + b1_ref[...], 0.0)
  h2 = jnp.dot(out1, w2_ref[...], preferred_element_type=jnp.float32)
  g2_ref[...] = h2 * d


def _fin_body(acc_ref, g2_ref, d_ref, b2_ref, out_ref):
  d = d_ref[...]
  out2 = (acc_ref[0, :N, :] + acc_ref[1, :N, :] + g2_ref[...]) * d
  out2 = out2 + b2_ref[...]
  m = jnp.sum(out2, axis=0, keepdims=True) * (1.0 / N)
  mask = lax.broadcasted_iota(jnp.int32, (1, 8), 1) < 6
  mx = jnp.max(jnp.where(mask, m, -1e30), axis=1, keepdims=True)
  z = m - mx
  s = jnp.sum(jnp.where(mask, jnp.exp(z), 0.0), axis=1, keepdims=True)
  out_ref[...] = z - jnp.log(s)


def kernel(x, edge_index, W1, b1, W2, b2):
  src = edge_index[0]
  dst = edge_index[1]
  pad = EP - E
  srcp = jnp.concatenate([src, jnp.zeros((pad,), jnp.int32)])
  dstp = jnp.concatenate([dst, jnp.full((pad,), N, jnp.int32)])
  src2d = srcp.reshape(CHUNKS, CHN)
  dst2d = dstp.reshape(CHUNKS, CHN)

  w2p = jnp.zeros((16, 8), jnp.float32).at[:, :6].set(W2)
  b2p = jnp.zeros((1, 8), jnp.float32).at[0, :6].set(b2)
  b1r = b1.reshape(1, 16)

  ones_deg = jnp.ones((CHN, DW), jnp.float32)
  zeros_deg = jnp.zeros((NP, DW), jnp.float32)
  zeros16 = jnp.zeros((NP, 16), jnp.float32)
  zeros8 = jnp.zeros((NP, 8), jnp.float32)

  deg_parts = _make_deg_kernel()(dst2d, ones_deg, zeros_deg)

  g1, d = pl.pallas_call(
      _prep_body,
      out_shape=[
          jax.ShapeDtypeStruct((N, 16), jnp.float32),
          jax.ShapeDtypeStruct((N, 1), jnp.float32),
      ],
  )(x, W1, deg_parts)

  acc1 = _make_agg_kernel(16)(src2d, dst2d, g1, zeros16)

  g2 = pl.pallas_call(
      _mid_body,
      out_shape=jax.ShapeDtypeStruct((N, 8), jnp.float32),
  )(acc1, g1, d, b1r, w2p)

  acc2 = _make_agg_kernel(8)(src2d, dst2d, g2, zeros8)

  outp = pl.pallas_call(
      _fin_body,
      out_shape=jax.ShapeDtypeStruct((1, 8), jnp.float32),
  )(acc2, g2, d, b2p)

  return outp[:, :6]

# --- scband reference (transcript-rebuilt; emitter-appended) ---
"""Pipeline reference for scband-net-43138651521266 (READ-ONLY COPY).

The authoritative reference and input builder live on the scoring server;
editing this copy changes nothing except your own understanding.
"""

import jax, jax.numpy as jnp
import numpy as np

N = 10000
E = 320000
D_IN = 128
H = 16
C = 6

def gcn_conv(x, edge_index, W, b):
    # Faithful PyG GCNConv: linear transform, add self loops, symmetric deg normalization, scatter-add aggregation, bias.
    src = edge_index[0]
    dst = edge_index[1]
    n = x.shape[0]
    loop = jnp.arange(n, dtype=src.dtype)
    src = jnp.concatenate([src, loop])
    dst = jnp.concatenate([dst, loop])
    h = x @ W
    ones = jnp.ones(dst.shape[0], dtype=h.dtype)
    deg = jax.ops.segment_sum(ones, dst, num_segments=n)
    deg_inv_sqrt = jnp.where(deg > 0, jax.lax.rsqrt(jnp.maximum(deg, 1e-12)), 0.0)
    norm = deg_inv_sqrt[src] * deg_inv_sqrt[dst]
    msgs = h[src] * norm[:, None]
    out = jax.ops.segment_sum(msgs, dst, num_segments=n)
    return out + b

def setup_inputs(seed: int = 0):
    key = jax.random.key(seed)
    k1, k2, k3, k4 = jax.random.split(key, 4)
    x = jax.random.normal(k1, (N, D_IN), dtype=jnp.float32)
    edge_index = jax.random.randint(k2, (2, E), 0, N, dtype=jnp.int32)
    W1 = jax.random.normal(k3, (D_IN, H), dtype=jnp.float32) * (1.0 / np.sqrt(D_IN))
    b1 = jnp.zeros((H,), dtype=jnp.float32)
    W2 = jax.random.normal(k4, (H, C), dtype=jnp.float32) * (1.0 / np.sqrt(H))
    b2 = jnp.zeros((C,), dtype=jnp.float32)
    return {"x": x, "edge_index": edge_index, "W1": W1, "b1": b1, "W2": W2, "b2": b2}

def reference(x, edge_index, W1, b1, W2, b2):
    h = gcn_conv(x, edge_index, W1, b1)
    h = jax.nn.relu(h)
    # F.dropout(training=self.training): identity in eval mode (deterministic reference)
    h = gcn_conv(h, edge_index, W2, b2)
    h = jnp.mean(h, axis=0)
    h = h[None, :]
    return jax.nn.log_softmax(h, axis=1)

if __name__ == "__main__":
    import jax
    _d = setup_inputs()
    print(jax.jit(kernel)(*tuple(_d.values())))

</pallas_src>

<mosaic_0001>
#map = affine_map<(d0, d1) -> (0, 0)>
#map1 = affine_map<(d0, d1) -> (0, 0, 0)>
module attributes {stable_mosaic.version = 14 : i64} {
  func.func @_agg_body(%arg0: i32, %arg1: i32, %arg2: memref<320x1024xi32, #tpu.memory_space<hbm>>, %arg3: memref<320x1024xi32, #tpu.memory_space<hbm>>, %arg4: memref<10000x8xf32, #tpu.memory_space<hbm>>, %arg5: memref<10240x8xf32, #tpu.memory_space<hbm>>, %arg6: memref<2x10240x8xf32, #tpu.memory_space<hbm>>, %arg7: memref<14x1024xi32, #tpu.memory_space<vmem>>, %arg8: memref<14x1024xi32, #tpu.memory_space<vmem>>, %arg9: memref<2x1024x8xf32, #tpu.memory_space<vmem>>, %arg10: memref<10240x8xf32, #tpu.memory_space<vmem_shared>>, %arg11: memref<!tpu.dma_semaphore, #tpu.memory_space<semaphore_mem>>, %arg12: memref<!tpu.dma_semaphore, #tpu.memory_space<semaphore_mem>>, %arg13: memref<!tpu.dma_semaphore, #tpu.memory_space<semaphore_mem>>, %arg14: memref<!tpu.dma_semaphore, #tpu.memory_space<semaphore_mem>>) attributes {dimension_semantics = [#tpu.dimension_semantics<core_parallel>, #tpu.dimension_semantics<subcore_parallel>], iteration_bounds = array<i64: 2, 16>, scalar_prefetch = 0 : i64, scratch_operands = 8 : i64, tpu.core_type = #tpu.core_type<sc_vector_subcore>, window_params = [{transform_indices = #map}, {transform_indices = #map}, {transform_indices = #map}, {transform_indices = #map}, {transform_indices = #map1}]} {
    %mul3A = arith.constant 640 : i32
    %mul3A_0 = arith.muli %arg1, %mul3A : i32
    %mul3A_1 = arith.constant 640 : i32
    %mul3A_2 = arith.muli %arg1, %mul3A_1 : i32
    "tpu.region"() ({
      %run_scoped3A = tpu.sem_alloc : memref<!tpu.dma_semaphore, #tpu.memory_space<semaphore_mem>>
      %dma_start3A = arith.constant 0 : i32
      %dma_start3A_70 = tpu.memref_slice %arg10[%mul3A_2, %dma_start3A] : memref<10240x8xf32, #tpu.memory_space<vmem_shared>> -> memref<640x8xf32, #tpu.memory_space<vmem_shared>>
      %dma_start3A_71 = arith.constant 0 : i32
      %dma_start3A_72 = tpu.memref_slice %arg5[%mul3A_0, %dma_start3A_71] : memref<10240x8xf32, #tpu.memory_space<hbm>> -> memref<640x8xf32, #tpu.memory_space<hbm>>
      tpu.enqueue_dma source(%dma_start3A_72 : memref<640x8xf32, #tpu.memory_space<hbm>>) target(%dma_start3A_70 : memref<640x8xf32, #tpu.memory_space<vmem_shared>>) target_semaphore(%run_scoped3A : memref<!tpu.dma_semaphore, #tpu.memory_space<semaphore_mem>>)
      %dma_wait3A_73 = arith.constant 0 : i32
      %dma_wait3A_74 = tpu.memref_slice %arg10[%mul3A_2, %dma_wait3A_73] : memref<10240x8xf32, #tpu.memory_space<vmem_shared>> -> memref<640x8xf32, #tpu.memory_space<vmem_shared>>
      %dma_wait3A_75 = arith.constant 0 : i32
      %dma_wait3A_76 = tpu.memref_slice %arg5[%mul3A_0, %dma_wait3A_75] : memref<10240x8xf32, #tpu.memory_space<hbm>> -> memref<640x8xf32, #tpu.memory_space<hbm>>
      tpu.wait_dma2 semaphore(%run_scoped3A : memref<!tpu.dma_semaphore, #tpu.memory_space<semaphore_mem>>) src(%dma_wait3A_76 : memref<640x8xf32, #tpu.memory_space<hbm>>) dst(%dma_wait3A_74 : memref<640x8xf32, #tpu.memory_space<vmem_shared>>)
      tpu.yield
    }) : () -> ()
    %eq3A = arith.constant 1 : i32
    %eq3A_3 = arith.cmpi eq, %arg0, %eq3A : i32
    %mul3A_4 = arith.constant 14 : i32
    %mul3A_5 = arith.muli %arg1, %mul3A_4 : i32
    %mul3A_6 = arith.constant 6 : i32
    %mul3A_7 = arith.muli %arg1, %mul3A_6 : i32
    %add3A = arith.constant 224 : i32
    %add3A_8 = arith.addi %add3A, %mul3A_7 : i32
    %select_n3A = arith.select %eq3A_3, %mul3A_5, %add3A_8 : i32
    %jit3A = arith.constant 14 : i32
    %jit3A_9 = arith.constant 6 : i32
    %select_n3A_10 = arith.select %eq3A_3, %jit3A, %jit3A_9 : i32
    %min3A = arith.constant 306 : i32
    %min3A_11 = arith.minsi %select_n3A, %min3A : i32
    %sub3A = arith.subi %select_n3A, %min3A_11 : i32
    "tpu.region"() ({
      %run_scoped3A = tpu.sem_alloc : memref<!tpu.dma_semaphore, #tpu.memory_space<semaphore_mem>>
      %dma_start3A = arith.constant 0 : i32
      %dma_start3A_70 = tpu.memref_slice %arg2[%min3A_11, %dma_start3A] : memref<320x1024xi32, #tpu.memory_space<hbm>> -> memref<14x1024xi32, #tpu.memory_space<hbm>>
      %dma_start3A_71 = arith.constant 0 : i32
      %dma_start3A_72 = tpu.memref_slice %arg2[%min3A_11, %dma_start3A_71] : memref<320x1024xi32, #tpu.memory_space<hbm>> -> memref<14x1024xi32, #tpu.memory_space<hbm>>
      tpu.enqueue_dma source(%dma_start3A_72 : memref<14x1024xi32, #tpu.memory_space<hbm>>) target(%arg7 : memref<14x1024xi32, #tpu.memory_space<vmem>>) target_semaphore(%run_scoped3A : memref<!tpu.dma_semaphore, #tpu.memory_space<semaphore_mem>>)
      %dma_wait3A_73 = arith.constant 0 : i32
      %dma_wait3A_74 = tpu.memref_slice %arg2[%min3A_11, %dma_wait3A_73] : memref<320x1024xi32, #tpu.memory_space<hbm>> -> memref<14x1024xi32, #tpu.memory_space<hbm>>
      %dma_wait3A_75 = arith.constant 0 : i32
      %dma_wait3A_76 = tpu.memref_slice %arg2[%min3A_11, %dma_wait3A_75] : memref<320x1024xi32, #tpu.memory_space<hbm>> -> memref<14x1024xi32, #tpu.memory_space<hbm>>
      tpu.wait_dma2 semaphore(%run_scoped3A : memref<!tpu.dma_semaphore, #tpu.memory_space<semaphore_mem>>) src(%dma_wait3A_76 : memref<14x1024xi32, #tpu.memory_space<hbm>>) dst(%arg7 : memref<14x1024xi32, #tpu.memory_space<vmem>>)
      tpu.yield
    }) : () -> ()
    "tpu.region"() ({
      %run_scoped3A = tpu.sem_alloc : memref<!tpu.dma_semaphore, #tpu.memory_space<semaphore_mem>>
      %dma_start3A = arith.constant 0 : i32
      %dma_start3A_70 = tpu.memref_slice %arg3[%min3A_11, %dma_start3A] : memref<320x1024xi32, #tpu.memory_space<hbm>> -> memref<14x1024xi32, #tpu.memory_space<hbm>>
      %dma_start3A_71 = arith.constant 0 : i32
      %dma_start3A_72 = tpu.memref_slice %arg3[%min3A_11, %dma_start3A_71] : memref<320x1024xi32, #tpu.memory_space<hbm>> -> memref<14x1024xi32, #tpu.memory_space<hbm>>
      tpu.enqueue_dma source(%dma_start3A_72 : memref<14x1024xi32, #tpu.memory_space<hbm>>) target(%arg8 : memref<14x1024xi32, #tpu.memory_space<vmem>>) target_semaphore(%run_scoped3A : memref<!tpu.dma_semaphore, #tpu.memory_space<semaphore_mem>>)
      %dma_wait3A_73 = arith.constant 0 : i32
      %dma_wait3A_74 = tpu.memref_slice %arg3[%min3A_11, %dma_wait3A_73] : memref<320x1024xi32, #tpu.memory_space<hbm>> -> memref<14x1024xi32, #tpu.memory_space<hbm>>
      %dma_wait3A_75 = arith.constant 0 : i32
      %dma_wait3A_76 = tpu.memref_slice %arg3[%min3A_11, %dma_wait3A_75] : memref<320x1024xi32, #tpu.memory_space<hbm>> -> memref<14x1024xi32, #tpu.memory_space<hbm>>
      tpu.wait_dma2 semaphore(%run_scoped3A : memref<!tpu.dma_semaphore, #tpu.memory_space<semaphore_mem>>) src(%dma_wait3A_76 : memref<14x1024xi32, #tpu.memory_space<hbm>>) dst(%arg8 : memref<14x1024xi32, #tpu.memory_space<vmem>>)
      tpu.yield
    }) : () -> ()
    %barrier3A = arith.constant 0 : index
    tpu.barrier barrier_id(%barrier3A)
    %jit3A_12 = arith.constant 2 : i32
    %div3A = arith.divsi %select_n3A_10, %jit3A_12 : i32
    %sign3A = arith.constant 0 : i32
    %sign3A_13 = arith.cmpi sgt, %select_n3A_10, %sign3A : i32
    %sign3A_14 = arith.extui %sign3A_13 : i1 to i32
    %sign3A_15 = arith.constant 0 : i32
    %sign3A_16 = arith.cmpi slt, %select_n3A_10, %sign3A_15 : i32
    %sign3A_17 = arith.extui %sign3A_16 : i1 to i32
    %sign3A_18 = arith.subi %sign3A_14, %sign3A_17 : i32
    %sign3A_19 = arith.constant 0 : i32
    %sign3A_20 = arith.cmpi sgt, %jit3A_12, %sign3A_19 : i32
    %sign3A_21 = arith.extui %sign3A_20 : i1 to i32
    %sign3A_22 = arith.constant 0 : i32
    %sign3A_23 = arith.cmpi slt, %jit3A_12, %sign3A_22 : i32
    %sign3A_24 = arith.extui %sign3A_23 : i1 to i32
    %sign3A_25 = arith.subi %sign3A_21, %sign3A_24 : i32
    %ne3A = arith.cmpi ne, %sign3A_18, %sign3A_25 : i32
    %rem3A = arith.remsi %select_n3A_10, %jit3A_12 : i32
    %ne3A_26 = arith.constant 0 : i32
    %ne3A_27 = arith.cmpi ne, %rem3A, %ne3A_26 : i32
    %and3A = arith.andi %ne3A, %ne3A_27 : i1
    %sub3A_28 = arith.constant 1 : i32
    %sub3A_29 = arith.subi %div3A, %sub3A_28 : i32
    %select_n3A_30 = arith.select %and3A, %sub3A_29, %div3A : i32
    %while3A = arith.constant 0 : i32
    %while3A_31 = arith.constant 0 : i32
    %while3A_32 = arith.subi %select_n3A_30, %while3A : i32
    %while3A_33 = arith.addi %while3A, %while3A_32 : i32
    %while3A_34 = arith.constant 1 : i32
    %while3A_35 = arith.divsi %while3A_32, %while3A_34 : i32
    %while3A_36 = arith.muli %while3A_35, %while3A_34 : i32
    %while3A_37 = arith.addi %while3A, %while3A_36 : i32
    %while3A_38 = arith.constant 1 : i32
    %while3A_39 = scf.for %while3A_70 = %while3A to %while3A_37 step %while3A_38 iter_args(%while3A_71 = %while3A_31) -> (i32)  : i32 {
      %mul3A_72 = arith.constant 2 : i32
      %mul3A_73 = arith.muli %mul3A_72, %while3A_70 : i32
      %add3A_74 = arith.addi %sub3A, %mul3A_73 : i32
      %add3A_75 = arith.constant 1 : i32
      %add3A_76 = arith.addi %add3A_74, %add3A_75 : i32
      %gt3A = arith.constant 0 : i32
      %gt3A_77 = arith.cmpi sgt, %while3A_70, %gt3A : i32
      %convert_element_type3A = arith.extui %gt3A_77 : i1 to i32
      %cond3A = arith.constant 0 : i32
      %cond3A_78 = arith.cmpi ne, %convert_element_type3A, %cond3A : i32
      scf.if %cond3A_78 {
        %dma_wait3A_150 = arith.constant 0 : i32
        %dma_wait3A_151 = arith.constant 0 : i32
        %dma_wait3A_152 = arith.constant 0 : i32
        %dma_wait3A_153 = tpu.memref_slice %arg9[%dma_wait3A_150, %dma_wait3A_151, %dma_wait3A_152] : memref<2x1024x8xf32, #tpu.memory_space<vmem>> -> memref<1x1024x8xf32, #tpu.memory_space<vmem>>
        %dma_wait3A_154 = tpu.memref_squeeze %dma_wait3A_153 : memref<1x1024x8xf32, #tpu.memory_space<vmem>> -> memref<1024x8xf32, #tpu.memory_space<vmem>>
        %dma_wait3A_155 = arith.constant 0 : i32
        %dma_wait3A_156 = tpu.memref_slice %arg8[%add3A_74, %dma_wait3A_155] : memref<14x1024xi32, #tpu.memory_space<vmem>> -> memref<1x1024xi32, #tpu.memory_space<vmem>>
        %dma_wait3A_157 = tpu.memref_squeeze %dma_wait3A_156 : memref<1x1024xi32, #tpu.memory_space<vmem>> -> memref<1024xi32, #tpu.memory_space<vmem>>
        %dma_wait3A_158 = arith.constant 0 : i32
        %dma_wait3A_159 = arith.constant 0 : i32
        %dma_wait3A_160 = tpu.memref_slice %arg10[%dma_wait3A_158, %dma_wait3A_159] : memref<10240x8xf32, #tpu.memory_space<vmem_shared>> -> memref<10240x8xf32, #tpu.memory_space<vmem_shared>>
        tpu.wait_indirect_dma semaphore(%arg13 : memref<!tpu.dma_semaphore, #tpu.memory_space<semaphore_mem>>) src(%dma_wait3A_154 : memref<1024x8xf32, #tpu.memory_space<vmem>>) dst(%dma_wait3A_160 : memref<10240x8xf32, #tpu.memory_space<vmem_shared>>)
      } else {
      }
      %dma_start3A = arith.constant 0 : i32
      %dma_start3A_79 = arith.constant 0 : i32
      %dma_start3A_80 = arith.constant 0 : i32
      %dma_start3A_81 = tpu.memref_slice %arg9[%dma_start3A, %dma_start3A_79, %dma_start3A_80] : memref<2x1024x8xf32, #tpu.memory_space<vmem>> -> memref<1x1024x8xf32, #tpu.memory_space<vmem>>
      %dma_start3A_82 = tpu.memref_squeeze %dma_start3A_81 : memref<1x1024x8xf32, #tpu.memory_space<vmem>> -> memref<1024x8xf32, #tpu.memory_space<vmem>>
      %dma_start3A_83 = arith.constant 0 : i32
      %dma_start3A_84 = tpu.memref_slice %arg7[%add3A_74, %dma_start3A_83] : memref<14x1024xi32, #tpu.memory_space<vmem>> -> memref<1x1024xi32, #tpu.memory_space<vmem>>
      %dma_start3A_85 = tpu.memref_squeeze %dma_start3A_84 : memref<1x1024xi32, #tpu.memory_space<vmem>> -> memref<1024xi32, #tpu.memory_space<vmem>>
      %dma_start3A_86 = arith.constant 0 : i32
      %dma_start3A_87 = arith.constant 0 : i32
      %dma_start3A_88 = tpu.memref_slice %arg4[%dma_start3A_86, %dma_start3A_87] : memref<10000x8xf32, #tpu.memory_space<hbm>> -> memref<10000x8xf32, #tpu.memory_space<hbm>>
      tpu.enqueue_indirect_dma source(%dma_start3A_88 : memref<10000x8xf32, #tpu.memory_space<hbm>>) target(%dma_start3A_82 : memref<1024x8xf32, #tpu.memory_space<vmem>>) offsets(%dma_start3A_85 : memref<1024xi32, #tpu.memory_space<vmem>>) semaphore(%arg11 : memref<!tpu.dma_semaphore, #tpu.memory_space<semaphore_mem>>)
      %gt3A_89 = arith.constant 0 : i32
      %gt3A_90 = arith.cmpi sgt, %while3A_70, %gt3A_89 : i32
      %convert_element_type3A_91 = arith.extui %gt3A_90 : i1 to i32
      %cond3A_92 = arith.constant 0 : i32
      %cond3A_93 = arith.cmpi ne, %convert_element_type3A_91, %cond3A_92 : i32
      scf.if %cond3A_93 {
        %dma_wait3A_150 = arith.constant 1 : i32
        %dma_wait3A_151 = arith.constant 0 : i32
        %dma_wait3A_152 = arith.constant 0 : i32
        %dma_wait3A_153 = tpu.memref_slice %arg9[%dma_wait3A_150, %dma_wait3A_151, %dma_wait3A_152] : memref<2x1024x8xf32, #tpu.memory_space<vmem>> -> memref<1x1024x8xf32, #tpu.memory_space<vmem>>
        %dma_wait3A_154 = tpu.memref_squeeze %dma_wait3A_153 : memref<1x1024x8xf32, #tpu.memory_space<vmem>> -> memref<1024x8xf32, #tpu.memory_space<vmem>>
        %dma_wait3A_155 = arith.constant 0 : i32
        %dma_wait3A_156 = tpu.memref_slice %arg8[%add3A_76, %dma_wait3A_155] : memref<14x1024xi32, #tpu.memory_space<vmem>> -> memref<1x1024xi32, #tpu.memory_space<vmem>>
        %dma_wait3A_157 = tpu.memref_squeeze %dma_wait3A_156 : memref<1x1024xi32, #tpu.memory_space<vmem>> -> memref<1024xi32, #tpu.memory_space<vmem>>
        %dma_wait3A_158 = arith.constant 0 : i32
        %dma_wait3A_159 = arith.constant 0 : i32
        %dma_wait3A_160 = tpu.memref_slice %arg10[%dma_wait3A_158, %dma_wait3A_159] : memref<10240x8xf32, #tpu.memory_space<vmem_shared>> -> memref<10240x8xf32, #tpu.memory_space<vmem_shared>>
        tpu.wait_indirect_dma semaphore(%arg14 : memref<!tpu.dma_semaphore, #tpu.memory_space<semaphore_mem>>) src(%dma_wait3A_154 : memref<1024x8xf32, #tpu.memory_space<vmem>>) dst(%dma_wait3A_160 : memref<10240x8xf32, #tpu.memory_space<vmem_shared>>)
      } else {
      }
      %dma_start3A_94 = arith.constant 1 : i32
      %dma_start3A_95 = arith.constant 0 : i32
      %dma_start3A_96 = arith.constant 0 : i32
      %dma_start3A_97 = tpu.memref_slice %arg9[%dma_start3A_94, %dma_start3A_95, %dma_start3A_96] : memref<2x1024x8xf32, #tpu.memory_space<vmem>> -> memref<1x1024x8xf32, #tpu.memory_space<vmem>>
      %dma_start3A_98 = tpu.memref_squeeze %dma_start3A_97 : memref<1x1024x8xf32, #tpu.memory_space<vmem>> -> memref<1024x8xf32, #tpu.memory_space<vmem>>
      %dma_start3A_99 = arith.constant 0 : i32
      %dma_start3A_100 = tpu.memref_slice %arg7[%add3A_76, %dma_start3A_99] : memref<14x1024xi32, #tpu.memory_space<vmem>> -> memref<1x1024xi32, #tpu.memory_space<vmem>>
      %dma_start3A_101 = tpu.memref_squeeze %dma_start3A_100 : memref<1x1024xi32, #tpu.memory_space<vmem>> -> memref<1024xi32, #tpu.memory_space<vmem>>
      %dma_start3A_102 = arith.constant 0 : i32
      %dma_start3A_103 = arith.constant 0 : i32
      %dma_start3A_104 = tpu.memref_slice %arg4[%dma_start3A_102, %dma_start3A_103] : memref<10000x8xf32, #tpu.memory_space<hbm>> -> memref<10000x8xf32, #tpu.memory_space<hbm>>
      tpu.enqueue_indirect_dma source(%dma_start3A_104 : memref<10000x8xf32, #tpu.memory_space<hbm>>) target(%dma_start3A_98 : memref<1024x8xf32, #tpu.memory_space<vmem>>) offsets(%dma_start3A_101 : memref<1024xi32, #tpu.memory_space<vmem>>) semaphore(%arg12 : memref<!tpu.dma_semaphore, #tpu.memory_space<semaphore_mem>>)
      %dma_wait3A_105 = arith.constant 0 : i32
      %dma_wait3A_106 = arith.constant 0 : i32
      %dma_wait3A_107 = arith.constant 0 : i32
      %dma_wait3A_108 = tpu.memref_slice %arg9[%dma_wait3A_105, %dma_wait3A_106, %dma_wait3A_107] : memref<2x1024x8xf32, #tpu.memory_space<vmem>> -> memref<1x1024x8xf32, #tpu.memory_space<vmem>>
      %dma_wait3A_109 = tpu.memref_squeeze %dma_wait3A_108 : memref<1x1024x8xf32, #tpu.memory_space<vmem>> -> memref<1024x8xf32, #tpu.memory_space<vmem>>
      %dma_wait3A_110 = arith.constant 0 : i32
      %dma_wait3A_111 = tpu.memref_slice %arg7[%add3A_74, %dma_wait3A_110] : memref<14x1024xi32, #tpu.memory_space<vmem>> -> memref<1x1024xi32, #tpu.memory_space<vmem>>
      %dma_wait3A_112 = tpu.memref_squeeze %dma_wait3A_111 : memref<1x1024xi32, #tpu.memory_space<vmem>> -> memref<1024xi32, #tpu.memory_space<vmem>>
      %dma_wait3A_113 = arith.constant 0 : i32
      %dma_wait3A_114 = arith.constant 0 : i32
      %dma_wait3A_115 = tpu.memref_slice %arg4[%dma_wait3A_113, %dma_wait3A_114] : memref<10000x8xf32, #tpu.memory_space<hbm>> -> memref<10000x8xf32, #tpu.memory_space<hbm>>
      tpu.wait_indirect_dma semaphore(%arg11 : memref<!tpu.dma_semaphore, #tpu.memory_space<semaphore_mem>>) src(%dma_wait3A_115 : memref<10000x8xf32, #tpu.memory_space<hbm>>) dst(%dma_wait3A_109 : memref<1024x8xf32, #tpu.memory_space<vmem>>)
      %dma_start3A_116 = arith.constant 0 : i32
      %dma_start3A_117 = arith.constant 0 : i32
      %dma_start3A_118 = arith.constant 0 : i32
      %dma_start3A_119 = tpu.memref_slice %arg9[%dma_start3A_116, %dma_start3A_117, %dma_start3A_118] : memref<2x1024x8xf32, #tpu.memory_space<vmem>> -> memref<1x1024x8xf32, #tpu.memory_space<vmem>>
      %dma_start3A_120 = tpu.memref_squeeze %dma_start3A_119 : memref<1x1024x8xf32, #tpu.memory_space<vmem>> -> memref<1024x8xf32, #tpu.memory_space<vmem>>
      %dma_start3A_121 = arith.constant 0 : i32
      %dma_start3A_122 = tpu.memref_slice %arg8[%add3A_74, %dma_start3A_121] : memref<14x1024xi32, #tpu.memory_space<vmem>> -> memref<1x1024xi32, #tpu.memory_space<vmem>>
      %dma_start3A_123 = tpu.memref_squeeze %dma_start3A_122 : memref<1x1024xi32, #tpu.memory_space<vmem>> -> memref<1024xi32, #tpu.memory_space<vmem>>
      %dma_start3A_124 = arith.constant 0 : i32
      %dma_start3A_125 = arith.constant 0 : i32
      %dma_start3A_126 = tpu.memref_slice %arg10[%dma_start3A_124, %dma_start3A_125] : memref<10240x8xf32, #tpu.memory_space<vmem_shared>> -> memref<10240x8xf32, #tpu.memory_space<vmem_shared>>
      tpu.enqueue_indirect_dma source(%dma_start3A_120 : memref<1024x8xf32, #tpu.memory_space<vmem>>) target(%dma_start3A_126 : memref<10240x8xf32, #tpu.memory_space<vmem_shared>>) offsets(%dma_start3A_123 : memref<1024xi32, #tpu.memory_space<vmem>>) semaphore(%arg13 : memref<!tpu.dma_semaphore, #tpu.memory_space<semaphore_mem>>) {add = true}
      %dma_wait3A_127 = arith.constant 1 : i32
      %dma_wait3A_128 = arith.constant 0 : i32
      %dma_wait3A_129 = arith.constant 0 : i32
      %dma_wait3A_130 = tpu.memref_slice %arg9[%dma_wait3A_127, %dma_wait3A_128, %dma_wait3A_129] : memref<2x1024x8xf32, #tpu.memory_space<vmem>> -> memref<1x1024x8xf32, #tpu.memory_space<vmem>>
      %dma_wait3A_131 = tpu.memref_squeeze %dma_wait3A_130 : memref<1x1024x8xf32, #tpu.memory_space<vmem>> -> memref<1024x8xf32, #tpu.memory_space<vmem>>
      %dma_wait3A_132 = arith.constant 0 : i32
      %dma_wait3A_133 = tpu.memref_slice %arg7[%add3A_76, %dma_wait3A_132] : memref<14x1024xi32, #tpu.memory_space<vmem>> -> memref<1x1024xi32, #tpu.memory_space<vmem>>
      %dma_wait3A_134 = tpu.memref_squeeze %dma_wait3A_133 : memref<1x1024xi32, #tpu.memory_space<vmem>> -> memref<1024xi32, #tpu.memory_space<vmem>>
      %dma_wait3A_135 = arith.constant 0 : i32
      %dma_wait3A_136 = arith.constant 0 : i32
      %dma_wait3A_137 = tpu.memref_slice %arg4[%dma_wait3A_135, %dma_wait3A_136] : memref<10000x8xf32, #tpu.memory_space<hbm>> -> memref<10000x8xf32, #tpu.memory_space<hbm>>
      tpu.wait_indirect_dma semaphore(%arg12 : memref<!tpu.dma_semaphore, #tpu.memory_space<semaphore_mem>>) src(%dma_wait3A_137 : memref<10000x8xf32, #tpu.memory_space<hbm>>) dst(%dma_wait3A_131 : memref<1024x8xf32, #tpu.memory_space<vmem>>)
      %dma_start3A_138 = arith.constant 1 : i32
      %dma_start3A_139 = arith.constant 0 : i32
      %dma_start3A_140 = arith.constant 0 : i32
      %dma_start3A_141 = tpu.memref_slice %arg9[%dma_start3A_138, %dma_start3A_139, %dma_start3A_140] : memref<2x1024x8xf32, #tpu.memory_space<vmem>> -> memref<1x1024x8xf32, #tpu.memory_space<vmem>>
      %dma_start3A_142 = tpu.memref_squeeze %dma_start3A_141 : memref<1x1024x8xf32, #tpu.memory_space<vmem>> -> memref<1024x8xf32, #tpu.memory_space<vmem>>
      %dma_start3A_143 = arith.constant 0 : i32
      %dma_start3A_144 = tpu.memref_slice %arg8[%add3A_76, %dma_start3A_143] : memref<14x1024xi32, #tpu.memory_space<vmem>> -> memref<1x1024xi32, #tpu.memory_space<vmem>>
      %dma_start3A_145 = tpu.memref_squeeze %dma_start3A_144 : memref<1x1024xi32, #tpu.memory_space<vmem>> -> memref<1024xi32, #tpu.memory_space<vmem>>
      %dma_start3A_146 = arith.constant 0 : i32
      %dma_start3A_147 = arith.constant 0 : i32
      %dma_start3A_148 = tpu.memref_slice %arg10[%dma_start3A_146, %dma_start3A_147] : memref<10240x8xf32, #tpu.memory_space<vmem_shared>> -> memref<10240x8xf32, #tpu.memory_space<vmem_shared>>
      tpu.enqueue_indirect_dma source(%dma_start3A_142 : memref<1024x8xf32, #tpu.memory_space<vmem>>) target(%dma_start3A_148 : memref<10240x8xf32, #tpu.memory_space<vmem_shared>>) offsets(%dma_start3A_145 : memref<1024xi32, #tpu.memory_space<vmem>>) semaphore(%arg14 : memref<!tpu.dma_semaphore, #tpu.memory_space<semaphore_mem>>) {add = true}
      %while3A_149 = arith.constant 0 : i32
      scf.yield %while3A_149 : i32
    }
    %while3A_40 = arith.constant 1 : i32
    %while3A_41 = scf.for %while3A_70 = %while3A_37 to %while3A_33 step %while3A_40 iter_args(%while3A_71 = %while3A_39) -> (i32)  : i32 {
      %mul3A_72 = arith.constant 2 : i32
      %mul3A_73 = arith.muli %mul3A_72, %while3A_70 : i32
      %add3A_74 = arith.addi %sub3A, %mul3A_73 : i32
      %add3A_75 = arith.constant 1 : i32
      %add3A_76 = arith.addi %add3A_74, %add3A_75 : i32
      %gt3A = arith.constant 0 : i32
      %gt3A_77 = arith.cmpi sgt, %while3A_70, %gt3A : i32
      %convert_element_type3A = arith.extui %gt3A_77 : i1 to i32
      %cond3A = arith.constant 0 : i32
      %cond3A_78 = arith.cmpi ne, %convert_element_type3A, %cond3A : i32
      scf.if %cond3A_78 {
        %dma_wait3A_150 = arith.constant 0 : i32
        %dma_wait3A_151 = arith.constant 0 : i32
        %dma_wait3A_152 = arith.constant 0 : i32
        %dma_wait3A_153 = tpu.memref_slice %arg9[%dma_wait3A_150, %dma_wait3A_151, %dma_wait3A_152] : memref<2x1024x8xf32, #tpu.memory_space<vmem>> -> memref<1x1024x8xf32, #tpu.memory_space<vmem>>
        %dma_wait3A_154 = tpu.memref_squeeze %dma_wait3A_153 : memref<1x1024x8xf32, #tpu.memory_space<vmem>> -> memref<1024x8xf32, #tpu.memory_space<vmem>>
        %dma_wait3A_155 = arith.constant 0 : i32
        %dma_wait3A_156 = tpu.memref_slice %arg8[%add3A_74, %dma_wait3A_155] : memref<14x1024xi32, #tpu.memory_space<vmem>> -> memref<1x1024xi32, #tpu.memory_space<vmem>>
        %dma_wait3A_157 = tpu.memref_squeeze %dma_wait3A_156 : memref<1x1024xi32, #tpu.memory_space<vmem>> -> memref<1024xi32, #tpu.memory_space<vmem>>
        %dma_wait3A_158 = arith.constant 0 : i32
        %dma_wait3A_159 = arith.constant 0 : i32
        %dma_wait3A_160 = tpu.memref_slice %arg10[%dma_wait3A_158, %dma_wait3A_159] : memref<10240x8xf32, #tpu.memory_space<vmem_shared>> -> memref<10240x8xf32, #tpu.memory_space<vmem_shared>>
        tpu.wait_indirect_dma semaphore(%arg13 : memref<!tpu.dma_semaphore, #tpu.memory_space<semaphore_mem>>) src(%dma_wait3A_154 : memref<1024x8xf32, #tpu.memory_space<vmem>>) dst(%dma_wait3A_160 : memref<10240x8xf32, #tpu.memory_space<vmem_shared>>)
      } else {
      }
      %dma_start3A = arith.constant 0 : i32
      %dma_start3A_79 = arith.constant 0 : i32
      %dma_start3A_80 = arith.constant 0 : i32
      %dma_start3A_81 = tpu.memref_slice %arg9[%dma_start3A, %dma_start3A_79, %dma_start3A_80] : memref<2x1024x8xf32, #tpu.memory_space<vmem>> -> memref<1x1024x8xf32, #tpu.memory_space<vmem>>
      %dma_start3A_82 = tpu.memref_squeeze %dma_start3A_81 : memref<1x1024x8xf32, #tpu.memory_space<vmem>> -> memref<1024x8xf32, #tpu.memory_space<vmem>>
      %dma_start3A_83 = arith.constant 0 : i32
      %dma_start3A_84 = tpu.memref_slice %arg7[%add3A_74, %dma_start3A_83] : memref<14x1024xi32, #tpu.memory_space<vmem>> -> memref<1x1024xi32, #tpu.memory_space<vmem>>
      %dma_start3A_85 = tpu.memref_squeeze %dma_start3A_84 : memref<1x1024xi32, #tpu.memory_space<vmem>> -> memref<1024xi32, #tpu.memory_space<vmem>>
      %dma_start3A_86 = arith.constant 0 : i32
      %dma_start3A_87 = arith.constant 0 : i32
      %dma_start3A_88 = tpu.memref_slice %arg4[%dma_start3A_86, %dma_start3A_87] : memref<10000x8xf32, #tpu.memory_space<hbm>> -> memref<10000x8xf32, #tpu.memory_space<hbm>>
      tpu.enqueue_indirect_dma source(%dma_start3A_88 : memref<10000x8xf32, #tpu.memory_space<hbm>>) target(%dma_start3A_82 : memref<1024x8xf32, #tpu.memory_space<vmem>>) offsets(%dma_start3A_85 : memref<1024xi32, #tpu.memory_space<vmem>>) semaphore(%arg11 : memref<!tpu.dma_semaphore, #tpu.memory_space<semaphore_mem>>)
      %gt3A_89 = arith.constant 0 : i32
      %gt3A_90 = arith.cmpi sgt, %while3A_70, %gt3A_89 : i32
      %convert_element_type3A_91 = arith.extui %gt3A_90 : i1 to i32
      %cond3A_92 = arith.constant 0 : i32
      %cond3A_93 = arith.cmpi ne, %convert_element_type3A_91, %cond3A_92 : i32
      scf.if %cond3A_93 {
        %dma_wait3A_150 = arith.constant 1 : i32
        %dma_wait3A_151 = arith.constant 0 : i32
        %dma_wait3A_152 = arith.constant 0 : i32
        %dma_wait3A_153 = tpu.memref_slice %arg9[%dma_wait3A_150, %dma_wait3A_151, %dma_wait3A_152] : memref<2x1024x8xf32, #tpu.memory_space<vmem>> -> memref<1x1024x8xf32, #tpu.memory_space<vmem>>
        %dma_wait3A_154 = tpu.memref_squeeze %dma_wait3A_153 : memref<1x1024x8xf32, #tpu.memory_space<vmem>> -> memref<1024x8xf32, #tpu.memory_space<vmem>>
        %dma_wait3A_155 = arith.constant 0 : i32
        %dma_wait3A_156 = tpu.memref_slice %arg8[%add3A_76, %dma_wait3A_155] : memref<14x1024xi32, #tpu.memory_space<vmem>> -> memref<1x1024xi32, #tpu.memory_space<vmem>>
        %dma_wait3A_157 = tpu.memref_squeeze %dma_wait3A_156 : memref<1x1024xi32, #tpu.memory_space<vmem>> -> memref<1024xi32, #tpu.memory_space<vmem>>
        %dma_wait3A_158 = arith.constant 0 : i32
        %dma_wait3A_159 = arith.constant 0 : i32
        %dma_wait3A_160 = tpu.memref_slice %arg10[%dma_wait3A_158, %dma_wait3A_159] : memref<10240x8xf32, #tpu.memory_space<vmem_shared>> -> memref<10240x8xf32, #tpu.memory_space<vmem_shared>>
        tpu.wait_indirect_dma semaphore(%arg14 : memref<!tpu.dma_semaphore, #tpu.memory_space<semaphore_mem>>) src(%dma_wait3A_154 : memref<1024x8xf32, #tpu.memory_space<vmem>>) dst(%dma_wait3A_160 : memref<10240x8xf32, #tpu.memory_space<vmem_shared>>)
      } else {
      }
      %dma_start3A_94 = arith.constant 1 : i32
      %dma_start3A_95 = arith.constant 0 : i32
      %dma_start3A_96 = arith.constant 0 : i32
      %dma_start3A_97 = tpu.memref_slice %arg9[%dma_start3A_94, %dma_start3A_95, %dma_start3A_96] : memref<2x1024x8xf32, #tpu.memory_space<vmem>> -> memref<1x1024x8xf32, #tpu.memory_space<vmem>>
      %dma_start3A_98 = tpu.memref_squeeze %dma_start3A_97 : memref<1x1024x8xf32, #tpu.memory_space<vmem>> -> memref<1024x8xf32, #tpu.memory_space<vmem>>
      %dma_start3A_99 = arith.constant 0 : i32
      %dma_start3A_100 = tpu.memref_slice %arg7[%add3A_76, %dma_start3A_99] : memref<14x1024xi32, #tpu.memory_space<vmem>> -> memref<1x1024xi32, #tpu.memory_space<vmem>>
      %dma_start3A_101 = tpu.memref_squeeze %dma_start3A_100 : memref<1x1024xi32, #tpu.memory_space<vmem>> -> memref<1024xi32, #tpu.memory_space<vmem>>
      %dma_start3A_102 = arith.constant 0 : i32
      %dma_start3A_103 = arith.constant 0 : i32
      %dma_start3A_104 = tpu.memref_slice %arg4[%dma_start3A_102, %dma_start3A_103] : memref<10000x8xf32, #tpu.memory_space<hbm>> -> memref<10000x8xf32, #tpu.memory_space<hbm>>
      tpu.enqueue_indirect_dma source(%dma_start3A_104 : memref<10000x8xf32, #tpu.memory_space<hbm>>) target(%dma_start3A_98 : memref<1024x8xf32, #tpu.memory_space<vmem>>) offsets(%dma_start3A_101 : memref<1024xi32, #tpu.memory_space<vmem>>) semaphore(%arg12 : memref<!tpu.dma_semaphore, #tpu.memory_space<semaphore_mem>>)
      %dma_wait3A_105 = arith.constant 0 : i32
      %dma_wait3A_106 = arith.constant 0 : i32
      %dma_wait3A_107 = arith.constant 0 : i32
      %dma_wait3A_108 = tpu.memref_slice %arg9[%dma_wait3A_105, %dma_wait3A_106, %dma_wait3A_107] : memref<2x1024x8xf32, #tpu.memory_space<vmem>> -> memref<1x1024x8xf32, #tpu.memory_space<vmem>>
      %dma_wait3A_109 = tpu.memref_squeeze %dma_wait3A_108 : memref<1x1024x8xf32, #tpu.memory_space<vmem>> -> memref<1024x8xf32, #tpu.memory_space<vmem>>
      %dma_wait3A_110 = arith.constant 0 : i32
      %dma_wait3A_111 = tpu.memref_slice %arg7[%add3A_74, %dma_wait3A_110] : memref<14x1024xi32, #tpu.memory_space<vmem>> -> memref<1x1024xi32, #tpu.memory_space<vmem>>
      %dma_wait3A_112 = tpu.memref_squeeze %dma_wait3A_111 : memref<1x1024xi32, #tpu.memory_space<vmem>> -> memref<1024xi32, #tpu.memory_space<vmem>>
      %dma_wait3A_113 = arith.constant 0 : i32
      %dma_wait3A_114 = arith.constant 0 : i32
      %dma_wait3A_115 = tpu.memref_slice %arg4[%dma_wait3A_113, %dma_wait3A_114] : memref<10000x8xf32, #tpu.memory_space<hbm>> -> memref<10000x8xf32, #tpu.memory_space<hbm>>
      tpu.wait_indirect_dma semaphore(%arg11 : memref<!tpu.dma_semaphore, #tpu.memory_space<semaphore_mem>>) src(%dma_wait3A_115 : memref<10000x8xf32, #tpu.memory_space<hbm>>) dst(%dma_wait3A_109 : memref<1024x8xf32, #tpu.memory_space<vmem>>)
      %dma_start3A_116 = arith.constant 0 : i32
      %dma_start3A_117 = arith.constant 0 : i32
      %dma_start3A_118 = arith.constant 0 : i32
      %dma_start3A_119 = tpu.memref_slice %arg9[%dma_start3A_116, %dma_start3A_117, %dma_start3A_118] : memref<2x1024x8xf32, #tpu.memory_space<vmem>> -> memref<1x1024x8xf32, #tpu.memory_space<vmem>>
      %dma_start3A_120 = tpu.memref_squeeze %dma_start3A_119 : memref<1x1024x8xf32, #tpu.memory_space<vmem>> -> memref<1024x8xf32, #tpu.memory_space<vmem>>
      %dma_start3A_121 = arith.constant 0 : i32
      %dma_start3A_122 = tpu.memref_slice %arg8[%add3A_74, %dma_start3A_121] : memref<14x1024xi32, #tpu.memory_space<vmem>> -> memref<1x1024xi32, #tpu.memory_space<vmem>>
      %dma_start3A_123 = tpu.memref_squeeze %dma_start3A_122 : memref<1x1024xi32, #tpu.memory_space<vmem>> -> memref<1024xi32, #tpu.memory_space<vmem>>
      %dma_start3A_124 = arith.constant 0 : i32
      %dma_start3A_125 = arith.constant 0 : i32
      %dma_start3A_126 = tpu.memref_slice %arg10[%dma_start3A_124, %dma_start3A_125] : memref<10240x8xf32, #tpu.memory_space<vmem_shared>> -> memref<10240x8xf32, #tpu.memory_space<vmem_shared>>
      tpu.enqueue_indirect_dma source(%dma_start3A_120 : memref<1024x8xf32, #tpu.memory_space<vmem>>) target(%dma_start3A_126 : memref<10240x8xf32, #tpu.memory_space<vmem_shared>>) offsets(%dma_start3A_123 : memref<1024xi32, #tpu.memory_space<vmem>>) semaphore(%arg13 : memref<!tpu.dma_semaphore, #tpu.memory_space<semaphore_mem>>) {add = true}
      %dma_wait3A_127 = arith.constant 1 : i32
      %dma_wait3A_128 = arith.constant 0 : i32
      %dma_wait3A_129 = arith.constant 0 : i32
      %dma_wait3A_130 = tpu.memref_slice %arg9[%dma_wait3A_127, %dma_wait3A_128, %dma_wait3A_129] : memref<2x1024x8xf32, #tpu.memory_space<vmem>> -> memref<1x1024x8xf32, #tpu.memory_space<vmem>>
      %dma_wait3A_131 = tpu.memref_squeeze %dma_wait3A_130 : memref<1x1024x8xf32, #tpu.memory_space<vmem>> -> memref<1024x8xf32, #tpu.memory_space<vmem>>
      %dma_wait3A_132 = arith.constant 0 : i32
      %dma_wait3A_133 = tpu.memref_slice %arg7[%add3A_76, %dma_wait3A_132] : memref<14x1024xi32, #tpu.memory_space<vmem>> -> memref<1x1024xi32, #tpu.memory_space<vmem>>
      %dma_wait3A_134 = tpu.memref_squeeze %dma_wait3A_133 : memref<1x1024xi32, #tpu.memory_space<vmem>> -> memref<1024xi32, #tpu.memory_space<vmem>>
      %dma_wait3A_135 = arith.constant 0 : i32
      %dma_wait3A_136 = arith.constant 0 : i32
      %dma_wait3A_137 = tpu.memref_slice %arg4[%dma_wait3A_135, %dma_wait3A_136] : memref<10000x8xf32, #tpu.memory_space<hbm>> -> memref<10000x8xf32, #tpu.memory_space<hbm>>
      tpu.wait_indirect_dma semaphore(%arg12 : memref<!tpu.dma_semaphore, #tpu.memory_space<semaphore_mem>>) src(%dma_wait3A_137 : memref<10000x8xf32, #tpu.memory_space<hbm>>) dst(%dma_wait3A_131 : memref<1024x8xf32, #tpu.memory_space<vmem>>)
      %dma_start3A_138 = arith.constant 1 : i32
      %dma_start3A_139 = arith.constant 0 : i32
      %dma_start3A_140 = arith.constant 0 : i32
      %dma_start3A_141 = tpu.memref_slice %arg9[%dma_start3A_138, %dma_start3A_139, %dma_start3A_140] : memref<2x1024x8xf32, #tpu.memory_space<vmem>> -> memref<1x1024x8xf32, #tpu.memory_space<vmem>>
      %dma_start3A_142 = tpu.memref_squeeze %dma_start3A_141 : memref<1x1024x8xf32, #tpu.memory_space<vmem>> -> memref<1024x8xf32, #tpu.memory_space<vmem>>
      %dma_start3A_143 = arith.constant 0 : i32
      %dma_start3A_144 = tpu.memref_slice %arg8[%add3A_76, %dma_start3A_143] : memref<14x1024xi32, #tpu.memory_space<vmem>> -> memref<1x1024xi32, #tpu.memory_space<vmem>>
      %dma_start3A_145 = tpu.memref_squeeze %dma_start3A_144 : memref<1x1024xi32, #tpu.memory_space<vmem>> -> memref<1024xi32, #tpu.memory_space<vmem>>
      %dma_start3A_146 = arith.constant 0 : i32
      %dma_start3A_147 = arith.constant 0 : i32
      %dma_start3A_148 = tpu.memref_slice %arg10[%dma_start3A_146, %dma_start3A_147] : memref<10240x8xf32, #tpu.memory_space<vmem_shared>> -> memref<10240x8xf32, #tpu.memory_space<vmem_shared>>
      tpu.enqueue_indirect_dma source(%dma_start3A_142 : memref<1024x8xf32, #tpu.memory_space<vmem>>) target(%dma_start3A_148 : memref<10240x8xf32, #tpu.memory_space<vmem_shared>>) offsets(%dma_start3A_145 : memref<1024xi32, #tpu.memory_space<vmem>>) semaphore(%arg14 : memref<!tpu.dma_semaphore, #tpu.memory_space<semaphore_mem>>) {add = true}
      %while3A_149 = arith.constant 0 : i32
      scf.yield %while3A_149 : i32
    }
    %dma_wait3A = arith.constant 0 : i32
    %dma_wait3A_42 = arith.constant 0 : i32
    %dma_wait3A_43 = arith.constant 0 : i32
    %dma_wait3A_44 = arith.constant 0 : i32
    %dma_wait3A_45 = tpu.memref_slice %arg9[%dma_wait3A, %dma_wait3A_43, %dma_wait3A_44] : memref<2x1024x8xf32, #tpu.memory_space<vmem>> -> memref<1x1024x8xf32, #tpu.memory_space<vmem>>
    %dma_wait3A_46 = tpu.memref_squeeze %dma_wait3A_45 : memref<1x1024x8xf32, #tpu.memory_space<vmem>> -> memref<1024x8xf32, #tpu.memory_space<vmem>>
    %dma_wait3A_47 = arith.constant 0 : i32
    %dma_wait3A_48 = tpu.memref_slice %arg8[%dma_wait3A_42, %dma_wait3A_47] : memref<14x1024xi32, #tpu.memory_space<vmem>> -> memref<1x1024xi32, #tpu.memory_space<vmem>>
    %dma_wait3A_49 = tpu.memref_squeeze %dma_wait3A_48 : memref<1x1024xi32, #tpu.memory_space<vmem>> -> memref<1024xi32, #tpu.memory_space<vmem>>
    %dma_wait3A_50 = arith.constant 0 : i32
    %dma_wait3A_51 = arith.constant 0 : i32
    %dma_wait3A_52 = tpu.memref_slice %arg10[%dma_wait3A_50, %dma_wait3A_51] : memref<10240x8xf32, #tpu.memory_space<vmem_shared>> -> memref<10240x8xf32, #tpu.memory_space<vmem_shared>>
    tpu.wait_indirect_dma semaphore(%arg13 : memref<!tpu.dma_semaphore, #tpu.memory_space<semaphore_mem>>) src(%dma_wait3A_46 : memref<1024x8xf32, #tpu.memory_space<vmem>>) dst(%dma_wait3A_52 : memref<10240x8xf32, #tpu.memory_space<vmem_shared>>)
    %dma_wait3A_53 = arith.constant 1 : i32
    %dma_wait3A_54 = arith.constant 1 : i32
    %dma_wait3A_55 = arith.constant 0 : i32
    %dma_wait3A_56 = arith.constant 0 : i32
    %dma_wait3A_57 = tpu.memref_slice %arg9[%dma_wait3A_53, %dma_wait3A_55, %dma_wait3A_56] : memref<2x1024x8xf32, #tpu.memory_space<vmem>> -> memref<1x1024x8xf32, #tpu.memory_space<vmem>>
    %dma_wait3A_58 = tpu.memref_squeeze %dma_wait3A_57 : memref<1x1024x8xf32, #tpu.memory_space<vmem>> -> memref<1024x8xf32, #tpu.memory_space<vmem>>
    %dma_wait3A_59 = arith.constant 0 : i32
    %dma_wait3A_60 = tpu.memref_slice %arg8[%dma_wait3A_54, %dma_wait3A_59] : memref<14x1024xi32, #tpu.memory_space<vmem>> -> memref<1x1024xi32, #tpu.memory_space<vmem>>
    %dma_wait3A_61 = tpu.memref_squeeze %dma_wait3A_60 : memref<1x1024xi32, #tpu.memory_space<vmem>> -> memref<1024xi32, #tpu.memory_space<vmem>>
    %dma_wait3A_62 = arith.constant 0 : i32
    %dma_wait3A_63 = arith.constant 0 : i32
    %dma_wait3A_64 = tpu.memref_slice %arg10[%dma_wait3A_62, %dma_wait3A_63] : memref<10240x8xf32, #tpu.memory_space<vmem_shared>> -> memref<10240x8xf32, #tpu.memory_space<vmem_shared>>
    tpu.wait_indirect_dma semaphore(%arg14 : memref<!tpu.dma_semaphore, #tpu.memory_space<semaphore_mem>>) src(%dma_wait3A_58 : memref<1024x8xf32, #tpu.memory_space<vmem>>) dst(%dma_wait3A_64 : memref<10240x8xf32, #tpu.memory_space<vmem_shared>>)
    %barrier3A_65 = arith.constant 0 : index
    tpu.barrier barrier_id(%barrier3A_65)
    %mul3A_66 = arith.constant 640 : i32
    %mul3A_67 = arith.muli %arg1, %mul3A_66 : i32
    %mul3A_68 = arith.constant 640 : i32
    %mul3A_69 = arith.muli %arg1, %mul3A_68 : i32
    "tpu.region"() ({
      %run_scoped3A = tpu.sem_alloc : memref<!tpu.dma_semaphore, #tpu.memory_space<semaphore_mem>>
      %dma_start3A = arith.constant 0 : i32
      %dma_start3A_70 = tpu.memref_slice %arg6[%arg0, %mul3A_69, %dma_start3A] : memref<2x10240x8xf32, #tpu.memory_space<hbm>> -> memref<1x640x8xf32, #tpu.memory_space<hbm>>
      %dma_start3A_71 = tpu.memref_squeeze %dma_start3A_70 : memref<1x640x8xf32, #tpu.memory_space<hbm>> -> memref<640x8xf32, #tpu.memory_space<hbm>>
      %dma_start3A_72 = arith.constant 0 : i32
      %dma_start3A_73 = tpu.memref_slice %arg10[%mul3A_67, %dma_start3A_72] : memref<10240x8xf32, #tpu.memory_space<vmem_shared>> -> memref<640x8xf32, #tpu.memory_space<vmem_shared>>
      tpu.enqueue_dma source(%dma_start3A_73 : memref<640x8xf32, #tpu.memory_space<vmem_shared>>) target(%dma_start3A_71 : memref<640x8xf32, #tpu.memory_space<hbm>>) target_semaphore(%run_scoped3A : memref<!tpu.dma_semaphore, #tpu.memory_space<semaphore_mem>>)
      %dma_wait3A_74 = arith.constant 0 : i32
      %dma_wait3A_75 = tpu.memref_slice %arg6[%arg0, %mul3A_69, %dma_wait3A_74] : memref<2x10240x8xf32, #tpu.memory_space<hbm>> -> memref<1x640x8xf32, #tpu.memory_space<hbm>>
      %dma_wait3A_76 = tpu.memref_squeeze %dma_wait3A_75 : memref<1x640x8xf32, #tpu.memory_space<hbm>> -> memref<640x8xf32, #tpu.memory_space<hbm>>
      %dma_wait3A_77 = arith.constant 0 : i32
      %dma_wait3A_78 = tpu.memref_slice %arg10[%mul3A_67, %dma_wait3A_77] : memref<10240x8xf32, #tpu.memory_space<vmem_shared>> -> memref<640x8xf32, #tpu.memory_space<vmem_shared>>
      tpu.wait_dma2 semaphore(%run_scoped3A : memref<!tpu.dma_semaphore, #tpu.memory_space<semaphore_mem>>) src(%dma_wait3A_78 : memref<640x8xf32, #tpu.memory_space<vmem_shared>>) dst(%dma_wait3A_76 : memref<640x8xf32, #tpu.memory_space<hbm>>)
      tpu.yield
    }) : () -> ()
    return
  }
}

#map = affine_map<(d0, d1) -> (0, 0)>
#map1 = affine_map<(d0, d1) -> (0, 0, 0)>
module attributes {stable_mosaic.version = 14 : i64} {
  func.func @_deg_body(%arg0: i32, %arg1: i32, %arg2: memref<320x1024xi32, #tpu.memory_space<hbm>>, %arg3: memref<1024x8xf32, #tpu.memory_space<hbm>>, %arg4: memref<10240x8xf32, #tpu.memory_space<hbm>>, %arg5: memref<2x10240x8xf32, #tpu.memory_space<hbm>>, %arg6: memref<14x1024xi32, #tpu.memory_space<vmem>>, %arg7: memref<1024x8xf32, #tpu.memory_space<vmem>>, %arg8: memref<10240x8xf32, #tpu.memory_space<vmem_shared>>, %arg9: memref<!tpu.dma_semaphore, #tpu.memory_space<semaphore_mem>>) attributes {dimension_semantics = [#tpu.dimension_semantics<core_parallel>, #tpu.dimension_semantics<subcore_parallel>], iteration_bounds = array<i64: 2, 16>, scalar_prefetch = 0 : i64, scratch_operands = 4 : i64, tpu.core_type = #tpu.core_type<sc_vector_subcore>, window_params = [{transform_indices = #map}, {transform_indices = #map}, {transform_indices = #map}, {transform_indices = #map1}]} {
    %mul3A = arith.constant 640 : i32
    %mul3A_0 = arith.muli %arg1, %mul3A : i32
    %mul3A_1 = arith.constant 640 : i32
    %mul3A_2 = arith.muli %arg1, %mul3A_1 : i32
    "tpu.region"() ({
      %run_scoped3A = tpu.sem_alloc : memref<!tpu.dma_semaphore, #tpu.memory_space<semaphore_mem>>
      %dma_start3A = arith.constant 0 : i32
      %dma_start3A_40 = tpu.memref_slice %arg8[%mul3A_2, %dma_start3A] : memref<10240x8xf32, #tpu.memory_space<vmem_shared>> -> memref<640x8xf32, #tpu.memory_space<vmem_shared>>
      %dma_start3A_41 = arith.constant 0 : i32
      %dma_start3A_42 = tpu.memref_slice %arg4[%mul3A_0, %dma_start3A_41] : memref<10240x8xf32, #tpu.memory_space<hbm>> -> memref<640x8xf32, #tpu.memory_space<hbm>>
      tpu.enqueue_dma source(%dma_start3A_42 : memref<640x8xf32, #tpu.memory_space<hbm>>) target(%dma_start3A_40 : memref<640x8xf32, #tpu.memory_space<vmem_shared>>) target_semaphore(%run_scoped3A : memref<!tpu.dma_semaphore, #tpu.memory_space<semaphore_mem>>)
      %dma_wait3A = arith.constant 0 : i32
      %dma_wait3A_43 = tpu.memref_slice %arg8[%mul3A_2, %dma_wait3A] : memref<10240x8xf32, #tpu.memory_space<vmem_shared>> -> memref<640x8xf32, #tpu.memory_space<vmem_shared>>
      %dma_wait3A_44 = arith.constant 0 : i32
      %dma_wait3A_45 = tpu.memref_slice %arg4[%mul3A_0, %dma_wait3A_44] : memref<10240x8xf32, #tpu.memory_space<hbm>> -> memref<640x8xf32, #tpu.memory_space<hbm>>
      tpu.wait_dma2 semaphore(%run_scoped3A : memref<!tpu.dma_semaphore, #tpu.memory_space<semaphore_mem>>) src(%dma_wait3A_45 : memref<640x8xf32, #tpu.memory_space<hbm>>) dst(%dma_wait3A_43 : memref<640x8xf32, #tpu.memory_space<vmem_shared>>)
      tpu.yield
    }) : () -> ()
    %eq3A = arith.constant 1 : i32
    %eq3A_3 = arith.cmpi eq, %arg0, %eq3A : i32
    %mul3A_4 = arith.constant 14 : i32
    %mul3A_5 = arith.muli %arg1, %mul3A_4 : i32
    %mul3A_6 = arith.constant 6 : i32
    %mul3A_7 = arith.muli %arg1, %mul3A_6 : i32
    %add3A = arith.constant 224 : i32
    %add3A_8 = arith.addi %add3A, %mul3A_7 : i32
    %select_n3A = arith.select %eq3A_3, %mul3A_5, %add3A_8 : i32
    %jit3A = arith.constant 14 : i32
    %jit3A_9 = arith.constant 6 : i32
    %select_n3A_10 = arith.select %eq3A_3, %jit3A, %jit3A_9 : i32
    %min3A = arith.constant 306 : i32
    %min3A_11 = arith.minsi %select_n3A, %min3A : i32
    %sub3A = arith.subi %select_n3A, %min3A_11 : i32
    "tpu.region"() ({
      %run_scoped3A = tpu.sem_alloc : memref<!tpu.dma_semaphore, #tpu.memory_space<semaphore_mem>>
      %dma_start3A = arith.constant 0 : i32
      %dma_start3A_40 = tpu.memref_slice %arg2[%min3A_11, %dma_start3A] : memref<320x1024xi32, #tpu.memory_space<hbm>> -> memref<14x1024xi32, #tpu.memory_space<hbm>>
      %dma_start3A_41 = arith.constant 0 : i32
      %dma_start3A_42 = tpu.memref_slice %arg2[%min3A_11, %dma_start3A_41] : memref<320x1024xi32, #tpu.memory_space<hbm>> -> memref<14x1024xi32, #tpu.memory_space<hbm>>
      tpu.enqueue_dma source(%dma_start3A_42 : memref<14x1024xi32, #tpu.memory_space<hbm>>) target(%arg6 : memref<14x1024xi32, #tpu.memory_space<vmem>>) target_semaphore(%run_scoped3A : memref<!tpu.dma_semaphore, #tpu.memory_space<semaphore_mem>>)
      %dma_wait3A = arith.constant 0 : i32
      %dma_wait3A_43 = tpu.memref_slice %arg2[%min3A_11, %dma_wait3A] : memref<320x1024xi32, #tpu.memory_space<hbm>> -> memref<14x1024xi32, #tpu.memory_space<hbm>>
      %dma_wait3A_44 = arith.constant 0 : i32
      %dma_wait3A_45 = tpu.memref_slice %arg2[%min3A_11, %dma_wait3A_44] : memref<320x1024xi32, #tpu.memory_space<hbm>> -> memref<14x1024xi32, #tpu.memory_space<hbm>>
      tpu.wait_dma2 semaphore(%run_scoped3A : memref<!tpu.dma_semaphore, #tpu.memory_space<semaphore_mem>>) src(%dma_wait3A_45 : memref<14x1024xi32, #tpu.memory_space<hbm>>) dst(%arg6 : memref<14x1024xi32, #tpu.memory_space<vmem>>)
      tpu.yield
    }) : () -> ()
    "tpu.region"() ({
      %run_scoped3A = tpu.sem_alloc : memref<!tpu.dma_semaphore, #tpu.memory_space<semaphore_mem>>
      tpu.enqueue_dma source(%arg3 : memref<1024x8xf32, #tpu.memory_space<hbm>>) target(%arg7 : memref<1024x8xf32, #tpu.memory_space<vmem>>) target_semaphore(%run_scoped3A : memref<!tpu.dma_semaphore, #tpu.memory_space<semaphore_mem>>)
      tpu.wait_dma2 semaphore(%run_scoped3A : memref<!tpu.dma_semaphore, #tpu.memory_space<semaphore_mem>>) src(%arg3 : memref<1024x8xf32, #tpu.memory_space<hbm>>) dst(%arg7 : memref<1024x8xf32, #tpu.memory_space<vmem>>)
      tpu.yield
    }) : () -> ()
    %barrier3A = arith.constant 0 : index
    tpu.barrier barrier_id(%barrier3A)
    %while3A = arith.constant 0 : i32
    %while3A_12 = arith.constant 0 : i32
    %while3A_13 = arith.subi %select_n3A_10, %while3A : i32
    %while3A_14 = arith.addi %while3A, %while3A_13 : i32
    %while3A_15 = arith.constant 1 : i32
    %while3A_16 = arith.divsi %while3A_13, %while3A_15 : i32
    %while3A_17 = arith.muli %while3A_16, %while3A_15 : i32
    %while3A_18 = arith.addi %while3A, %while3A_17 : i32
    %while3A_19 = arith.constant 1 : i32
    %while3A_20 = scf.for %while3A_40 = %while3A to %while3A_18 step %while3A_19 iter_args(%while3A_41 = %while3A_12) -> (i32)  : i32 {
      %add3A_42 = arith.addi %sub3A, %while3A_40 : i32
      %dma_start3A = arith.constant 0 : i32
      %dma_start3A_43 = tpu.memref_slice %arg6[%add3A_42, %dma_start3A] : memref<14x1024xi32, #tpu.memory_space<vmem>> -> memref<1x1024xi32, #tpu.memory_space<vmem>>
      %dma_start3A_44 = tpu.memref_squeeze %dma_start3A_43 : memref<1x1024xi32, #tpu.memory_space<vmem>> -> memref<1024xi32, #tpu.memory_space<vmem>>
      %dma_start3A_45 = arith.constant 0 : i32
      %dma_start3A_46 = arith.constant 0 : i32
      %dma_start3A_47 = tpu.memref_slice %arg8[%dma_start3A_45, %dma_start3A_46] : memref<10240x8xf32, #tpu.memory_space<vmem_shared>> -> memref<10240x8xf32, #tpu.memory_space<vmem_shared>>
      tpu.enqueue_indirect_dma source(%arg7 : memref<1024x8xf32, #tpu.memory_space<vmem>>) target(%dma_start3A_47 : memref<10240x8xf32, #tpu.memory_space<vmem_shared>>) offsets(%dma_start3A_44 : memref<1024xi32, #tpu.memory_space<vmem>>) semaphore(%arg9 : memref<!tpu.dma_semaphore, #tpu.memory_space<semaphore_mem>>) {add = true}
      %while3A_48 = arith.constant 0 : i32
      scf.yield %while3A_48 : i32
    }
    %while3A_21 = arith.constant 1 : i32
    %while3A_22 = scf.for %while3A_40 = %while3A_18 to %while3A_14 step %while3A_21 iter_args(%while3A_41 = %while3A_20) -> (i32)  : i32 {
      %add3A_42 = arith.addi %sub3A, %while3A_40 : i32
      %dma_start3A = arith.constant 0 : i32
      %dma_start3A_43 = tpu.memref_slice %arg6[%add3A_42, %dma_start3A] : memref<14x1024xi32, #tpu.memory_space<vmem>> -> memref<1x1024xi32, #tpu.memory_space<vmem>>
      %dma_start3A_44 = tpu.memref_squeeze %dma_start3A_43 : memref<1x1024xi32, #tpu.memory_space<vmem>> -> memref<1024xi32, #tpu.memory_space<vmem>>
      %dma_start3A_45 = arith.constant 0 : i32
      %dma_start3A_46 = arith.constant 0 : i32
      %dma_start3A_47 = tpu.memref_slice %arg8[%dma_start3A_45, %dma_start3A_46] : memref<10240x8xf32, #tpu.memory_space<vmem_shared>> -> memref<10240x8xf32, #tpu.memory_space<vmem_shared>>
      tpu.enqueue_indirect_dma source(%arg7 : memref<1024x8xf32, #tpu.memory_space<vmem>>) target(%dma_start3A_47 : memref<10240x8xf32, #tpu.memory_space<vmem_shared>>) offsets(%dma_start3A_44 : memref<1024xi32, #tpu.memory_space<vmem>>) semaphore(%arg9 : memref<!tpu.dma_semaphore, #tpu.memory_space<semaphore_mem>>) {add = true}
      %while3A_48 = arith.constant 0 : i32
      scf.yield %while3A_48 : i32
    }
    %while3A_23 = arith.constant 0 : i32
    %while3A_24 = arith.constant 0 : i32
    %while3A_25 = arith.subi %select_n3A_10, %while3A_23 : i32
    %while3A_26 = arith.addi %while3A_23, %while3A_25 : i32
    %while3A_27 = arith.constant 1 : i32
    %while3A_28 = arith.divsi %while3A_25, %while3A_27 : i32
    %while3A_29 = arith.muli %while3A_28, %while3A_27 : i32
    %while3A_30 = arith.addi %while3A_23, %while3A_29 : i32
    %while3A_31 = arith.constant 1 : i32
    %while3A_32 = scf.for %while3A_40 = %while3A_23 to %while3A_30 step %while3A_31 iter_args(%while3A_41 = %while3A_24) -> (i32)  : i32 {
      %dma_wait3A = arith.constant 0 : i32
      %dma_wait3A_42 = arith.constant 0 : i32
      %dma_wait3A_43 = tpu.memref_slice %arg6[%dma_wait3A, %dma_wait3A_42] : memref<14x1024xi32, #tpu.memory_space<vmem>> -> memref<1x1024xi32, #tpu.memory_space<vmem>>
      %dma_wait3A_44 = tpu.memref_squeeze %dma_wait3A_43 : memref<1x1024xi32, #tpu.memory_space<vmem>> -> memref<1024xi32, #tpu.memory_space<vmem>>
      %dma_wait3A_45 = arith.constant 0 : i32
      %dma_wait3A_46 = arith.constant 0 : i32
      %dma_wait3A_47 = tpu.memref_slice %arg8[%dma_wait3A_45, %dma_wait3A_46] : memref<10240x8xf32, #tpu.memory_space<vmem_shared>> -> memref<10240x8xf32, #tpu.memory_space<vmem_shared>>
      tpu.wait_indirect_dma semaphore(%arg9 : memref<!tpu.dma_semaphore, #tpu.memory_space<semaphore_mem>>) src(%arg7 : memref<1024x8xf32, #tpu.memory_space<vmem>>) dst(%dma_wait3A_47 : memref<10240x8xf32, #tpu.memory_space<vmem_shared>>)
      %while3A_48 = arith.constant 0 : i32
      scf.yield %while3A_48 : i32
    }
    %while3A_33 = arith.constant 1 : i32
    %while3A_34 = scf.for %while3A_40 = %while3A_30 to %while3A_26 step %while3A_33 iter_args(%while3A_41 = %while3A_32) -> (i32)  : i32 {
      %dma_wait3A = arith.constant 0 : i32
      %dma_wait3A_42 = arith.constant 0 : i32
      %dma_wait3A_43 = tpu.memref_slice %arg6[%dma_wait3A, %dma_wait3A_42] : memref<14x1024xi32, #tpu.memory_space<vmem>> -> memref<1x1024xi32, #tpu.memory_space<vmem>>
      %dma_wait3A_44 = tpu.memref_squeeze %dma_wait3A_43 : memref<1x1024xi32, #tpu.memory_space<vmem>> -> memref<1024xi32, #tpu.memory_space<vmem>>
      %dma_wait3A_45 = arith.constant 0 : i32
      %dma_wait3A_46 = arith.constant 0 : i32
      %dma_wait3A_47 = tpu.memref_slice %arg8[%dma_wait3A_45, %dma_wait3A_46] : memref<10240x8xf32, #tpu.memory_space<vmem_shared>> -> memref<10240x8xf32, #tpu.memory_space<vmem_shared>>
      tpu.wait_indirect_dma semaphore(%arg9 : memref<!tpu.dma_semaphore, #tpu.memory_space<semaphore_mem>>) src(%arg7 : memref<1024x8xf32, #tpu.memory_space<vmem>>) dst(%dma_wait3A_47 : memref<10240x8xf32, #tpu.memory_space<vmem_shared>>)
      %while3A_48 = arith.constant 0 : i32
      scf.yield %while3A_48 : i32
    }
    %barrier3A_35 = arith.constant 0 : index
    tpu.barrier barrier_id(%barrier3A_35)
    %mul3A_36 = arith.constant 640 : i32
    %mul3A_37 = arith.muli %arg1, %mul3A_36 : i32
    %mul3A_38 = arith.constant 640 : i32
    %mul3A_39 = arith.muli %arg1, %mul3A_38 : i32
    "tpu.region"() ({
      %run_scoped3A = tpu.sem_alloc : memref<!tpu.dma_semaphore, #tpu.memory_space<semaphore_mem>>
      %dma_start3A = arith.constant 0 : i32
      %dma_start3A_40 = tpu.memref_slice %arg5[%arg0, %mul3A_39, %dma_start3A] : memref<2x10240x8xf32, #tpu.memory_space<hbm>> -> memref<1x640x8xf32, #tpu.memory_space<hbm>>
      %dma_start3A_41 = tpu.memref_squeeze %dma_start3A_40 : memref<1x640x8xf32, #tpu.memory_space<hbm>> -> memref<640x8xf32, #tpu.memory_space<hbm>>
      %dma_start3A_42 = arith.constant 0 : i32
      %dma_start3A_43 = tpu.memref_slice %arg8[%mul3A_37, %dma_start3A_42] : memref<10240x8xf32, #tpu.memory_space<vmem_shared>> -> memref<640x8xf32, #tpu.memory_space<vmem_shared>>
      tpu.enqueue_dma source(%dma_start3A_43 : memref<640x8xf32, #tpu.memory_space<vmem_shared>>) target(%dma_start3A_41 : memref<640x8xf32, #tpu.memory_space<hbm>>) target_semaphore(%run_scoped3A : memref<!tpu.dma_semaphore, #tpu.memory_space<semaphore_mem>>)
      %dma_wait3A = arith.constant 0 : i32
      %dma_wait3A_44 = tpu.memref_slice %arg5[%arg0, %mul3A_39, %dma_wait3A] : memref<2x10240x8xf32, #tpu.memory_space<hbm>> -> memref<1x640x8xf32, #tpu.memory_space<hbm>>
      %dma_wait3A_45 = tpu.memref_squeeze %dma_wait3A_44 : memref<1x640x8xf32, #tpu.memory_space<hbm>> -> memref<640x8xf32, #tpu.memory_space<hbm>>
      %dma_wait3A_46 = arith.constant 0 : i32
      %dma_wait3A_47 = tpu.memref_slice %arg8[%mul3A_37, %dma_wait3A_46] : memref<10240x8xf32, #tpu.memory_space<vmem_shared>> -> memref<640x8xf32, #tpu.memory_space<vmem_shared>>
      tpu.wait_dma2 semaphore(%run_scoped3A : memref<!tpu.dma_semaphore, #tpu.memory_space<semaphore_mem>>) src(%dma_wait3A_47 : memref<640x8xf32, #tpu.memory_space<vmem_shared>>) dst(%dma_wait3A_45 : memref<640x8xf32, #tpu.memory_space<hbm>>)
      tpu.yield
    }) : () -> ()
    return
  }
}

#map = affine_map<(d0, d1) -> (0, 0)>
#map1 = affine_map<(d0, d1) -> (0, 0, 0)>
module attributes {stable_mosaic.version = 14 : i64} {
  func.func @_agg_body(%arg0: i32, %arg1: i32, %arg2: memref<320x1024xi32, #tpu.memory_space<hbm>>, %arg3: memref<320x1024xi32, #tpu.memory_space<hbm>>, %arg4: memref<10000x16xf32, #tpu.memory_space<hbm>>, %arg5: memref<10240x16xf32, #tpu.memory_space<hbm>>, %arg6: memref<2x10240x16xf32, #tpu.memory_space<hbm>>, %arg7: memref<14x1024xi32, #tpu.memory_space<vmem>>, %arg8: memref<14x1024xi32, #tpu.memory_space<vmem>>, %arg9: memref<2x1024x16xf32, #tpu.memory_space<vmem>>, %arg10: memref<10240x16xf32, #tpu.memory_space<vmem_shared>>, %arg11: memref<!tpu.dma_semaphore, #tpu.memory_space<semaphore_mem>>, %arg12: memref<!tpu.dma_semaphore, #tpu.memory_space<semaphore_mem>>, %arg13: memref<!tpu.dma_semaphore, #tpu.memory_space<semaphore_mem>>, %arg14: memref<!tpu.dma_semaphore, #tpu.memory_space<semaphore_mem>>) attributes {dimension_semantics = [#tpu.dimension_semantics<core_parallel>, #tpu.dimension_semantics<subcore_parallel>], iteration_bounds = array<i64: 2, 16>, scalar_prefetch = 0 : i64, scratch_operands = 8 : i64, tpu.core_type = #tpu.core_type<sc_vector_subcore>, window_params = [{transform_indices = #map}, {transform_indices = #map}, {transform_indices = #map}, {transform_indices = #map}, {transform_indices = #map1}]} {
    %mul3A = arith.constant 640 : i32
    %mul3A_0 = arith.muli %arg1, %mul3A : i32
    %mul3A_1 = arith.constant 640 : i32
    %mul3A_2 = arith.muli %arg1, %mul3A_1 : i32
    "tpu.region"() ({
      %run_scoped3A = tpu.sem_alloc : memref<!tpu.dma_semaphore, #tpu.memory_space<semaphore_mem>>
      %dma_start3A = arith.constant 0 : i32
      %dma_start3A_70 = tpu.memref_slice %arg10[%mul3A_2, %dma_start3A] : memref<10240x16xf32, #tpu.memory_space<vmem_shared>> -> memref<640x16xf32, #tpu.memory_space<vmem_shared>>
      %dma_start3A_71 = arith.constant 0 : i32
      %dma_start3A_72 = tpu.memref_slice %arg5[%mul3A_0, %dma_start3A_71] : memref<10240x16xf32, #tpu.memory_space<hbm>> -> memref<640x16xf32, #tpu.memory_space<hbm>>
      tpu.enqueue_dma source(%dma_start3A_72 : memref<640x16xf32, #tpu.memory_space<hbm>>) target(%dma_start3A_70 : memref<640x16xf32, #tpu.memory_space<vmem_shared>>) target_semaphore(%run_scoped3A : memref<!tpu.dma_semaphore, #tpu.memory_space<semaphore_mem>>)
      %dma_wait3A_73 = arith.constant 0 : i32
      %dma_wait3A_74 = tpu.memref_slice %arg10[%mul3A_2, %dma_wait3A_73] : memref<10240x16xf32, #tpu.memory_space<vmem_shared>> -> memref<640x16xf32, #tpu.memory_space<vmem_shared>>
      %dma_wait3A_75 = arith.constant 0 : i32
      %dma_wait3A_76 = tpu.memref_slice %arg5[%mul3A_0, %dma_wait3A_75] : memref<10240x16xf32, #tpu.memory_space<hbm>> -> memref<640x16xf32, #tpu.memory_space<hbm>>
      tpu.wait_dma2 semaphore(%run_scoped3A : memref<!tpu.dma_semaphore, #tpu.memory_space<semaphore_mem>>) src(%dma_wait3A_76 : memref<640x16xf32, #tpu.memory_space<hbm>>) dst(%dma_wait3A_74 : memref<640x16xf32, #tpu.memory_space<vmem_shared>>)
      tpu.yield
    }) : () -> ()
    %eq3A = arith.constant 1 : i32
    %eq3A_3 = arith.cmpi eq, %arg0, %eq3A : i32
    %mul3A_4 = arith.constant 14 : i32
    %mul3A_5 = arith.muli %arg1, %mul3A_4 : i32
    %mul3A_6 = arith.constant 6 : i32
    %mul3A_7 = arith.muli %arg1, %mul3A_6 : i32
    %add3A = arith.constant 224 : i32
    %add3A_8 = arith.addi %add3A, %mul3A_7 : i32
    %select_n3A = arith.select %eq3A_3, %mul3A_5, %add3A_8 : i32
    %jit3A = arith.constant 14 : i32
    %jit3A_9 = arith.constant 6 : i32
    %select_n3A_10 = arith.select %eq3A_3, %jit3A, %jit3A_9 : i32
    %min3A = arith.constant 306 : i32
    %min3A_11 = arith.minsi %select_n3A, %min3A : i32
    %sub3A = arith.subi %select_n3A, %min3A_11 : i32
    "tpu.region"() ({
      %run_scoped3A = tpu.sem_alloc : memref<!tpu.dma_semaphore, #tpu.memory_space<semaphore_mem>>
      %dma_start3A = arith.constant 0 : i32
      %dma_start3A_70 = tpu.memref_slice %arg2[%min3A_11, %dma_start3A] : memref<320x1024xi32, #tpu.memory_space<hbm>> -> memref<14x1024xi32, #tpu.memory_space<hbm>>
      %dma_start3A_71 = arith.constant 0 : i32
      %dma_start3A_72 = tpu.memref_slice %arg2[%min3A_11, %dma_start3A_71] : memref<320x1024xi32, #tpu.memory_space<hbm>> -> memref<14x1024xi32, #tpu.memory_space<hbm>>
      tpu.enqueue_dma source(%dma_start3A_72 : memref<14x1024xi32, #tpu.memory_space<hbm>>) target(%arg7 : memref<14x1024xi32, #tpu.memory_space<vmem>>) target_semaphore(%run_scoped3A : memref<!tpu.dma_semaphore, #tpu.memory_space<semaphore_mem>>)
      %dma_wait3A_73 = arith.constant 0 : i32
      %dma_wait3A_74 = tpu.memref_slice %arg2[%min3A_11, %dma_wait3A_73] : memref<320x1024xi32, #tpu.memory_space<hbm>> -> memref<14x1024xi32, #tpu.memory_space<hbm>>
      %dma_wait3A_75 = arith.constant 0 : i32
      %dma_wait3A_76 = tpu.memref_slice %arg2[%min3A_11, %dma_wait3A_75] : memref<320x1024xi32, #tpu.memory_space<hbm>> -> memref<14x1024xi32, #tpu.memory_space<hbm>>
      tpu.wait_dma2 semaphore(%run_scoped3A : memref<!tpu.dma_semaphore, #tpu.memory_space<semaphore_mem>>) src(%dma_wait3A_76 : memref<14x1024xi32, #tpu.memory_space<hbm>>) dst(%arg7 : memref<14x1024xi32, #tpu.memory_space<vmem>>)
      tpu.yield
    }) : () -> ()
    "tpu.region"() ({
      %run_scoped3A = tpu.sem_alloc : memref<!tpu.dma_semaphore, #tpu.memory_space<semaphore_mem>>
      %dma_start3A = arith.constant 0 : i32
      %dma_start3A_70 = tpu.memref_slice %arg3[%min3A_11, %dma_start3A] : memref<320x1024xi32, #tpu.memory_space<hbm>> -> memref<14x1024xi32, #tpu.memory_space<hbm>>
      %dma_start3A_71 = arith.constant 0 : i32
      %dma_start3A_72 = tpu.memref_slice %arg3[%min3A_11, %dma_start3A_71] : memref<320x1024xi32, #tpu.memory_space<hbm>> -> memref<14x1024xi32, #tpu.memory_space<hbm>>
      tpu.enqueue_dma source(%dma_start3A_72 : memref<14x1024xi32, #tpu.memory_space<hbm>>) target(%arg8 : memref<14x1024xi32, #tpu.memory_space<vmem>>) target_semaphore(%run_scoped3A : memref<!tpu.dma_semaphore, #tpu.memory_space<semaphore_mem>>)
      %dma_wait3A_73 = arith.constant 0 : i32
      %dma_wait3A_74 = tpu.memref_slice %arg3[%min3A_11, %dma_wait3A_73] : memref<320x1024xi32, #tpu.memory_space<hbm>> -> memref<14x1024xi32, #tpu.memory_space<hbm>>
      %dma_wait3A_75 = arith.constant 0 : i32
      %dma_wait3A_76 = tpu.memref_slice %arg3[%min3A_11, %dma_wait3A_75] : memref<320x1024xi32, #tpu.memory_space<hbm>> -> memref<14x1024xi32, #tpu.memory_space<hbm>>
      tpu.wait_dma2 semaphore(%run_scoped3A : memref<!tpu.dma_semaphore, #tpu.memory_space<semaphore_mem>>) src(%dma_wait3A_76 : memref<14x1024xi32, #tpu.memory_space<hbm>>) dst(%arg8 : memref<14x1024xi32, #tpu.memory_space<vmem>>)
      tpu.yield
    }) : () -> ()
    %barrier3A = arith.constant 0 : index
    tpu.barrier barrier_id(%barrier3A)
    %jit3A_12 = arith.constant 2 : i32
    %div3A = arith.divsi %select_n3A_10, %jit3A_12 : i32
    %sign3A = arith.constant 0 : i32
    %sign3A_13 = arith.cmpi sgt, %select_n3A_10, %sign3A : i32
    %sign3A_14 = arith.extui %sign3A_13 : i1 to i32
    %sign3A_15 = arith.constant 0 : i32
    %sign3A_16 = arith.cmpi slt, %select_n3A_10, %sign3A_15 : i32
    %sign3A_17 = arith.extui %sign3A_16 : i1 to i32
    %sign3A_18 = arith.subi %sign3A_14, %sign3A_17 : i32
    %sign3A_19 = arith.constant 0 : i32
    %sign3A_20 = arith.cmpi sgt, %jit3A_12, %sign3A_19 : i32
    %sign3A_21 = arith.extui %sign3A_20 : i1 to i32
    %sign3A_22 = arith.constant 0 : i32
    %sign3A_23 = arith.cmpi slt, %jit3A_12, %sign3A_22 : i32
    %sign3A_24 = arith.extui %sign3A_23 : i1 to i32
    %sign3A_25 = arith.subi %sign3A_21, %sign3A_24 : i32
    %ne3A = arith.cmpi ne, %sign3A_18, %sign3A_25 : i32
    %rem3A = arith.remsi %select_n3A_10, %jit3A_12 : i32
    %ne3A_26 = arith.constant 0 : i32
    %ne3A_27 = arith.cmpi ne, %rem3A, %ne3A_26 : i32
    %and3A = arith.andi %ne3A, %ne3A_27 : i1
    %sub3A_28 = arith.constant 1 : i32
    %sub3A_29 = arith.subi %div3A, %sub3A_28 : i32
    %select_n3A_30 = arith.select %and3A, %sub3A_29, %div3A : i32
    %while3A = arith.constant 0 : i32
    %while3A_31 = arith.constant 0 : i32
    %while3A_32 = arith.subi %select_n3A_30, %while3A : i32
    %while3A_33 = arith.addi %while3A, %while3A_32 : i32
    %while3A_34 = arith.constant 1 : i32
    %while3A_35 = arith.divsi %while3A_32, %while3A_34 : i32
    %while3A_36 = arith.muli %while3A_35, %while3A_34 : i32
    %while3A_37 = arith.addi %while3A, %while3A_36 : i32
    %while3A_38 = arith.constant 1 : i32
    %while3A_39 = scf.for %while3A_70 = %while3A to %while3A_37 step %while3A_38 iter_args(%while3A_71 = %while3A_31) -> (i32)  : i32 {
      %mul3A_72 = arith.constant 2 : i32
      %mul3A_73 = arith.muli %mul3A_72, %while3A_70 : i32
      %add3A_74 = arith.addi %sub3A, %mul3A_73 : i32
      %add3A_75 = arith.constant 1 : i32
      %add3A_76 = arith.addi %add3A_74, %add3A_75 : i32
      %gt3A = arith.constant 0 : i32
      %gt3A_77 = arith.cmpi sgt, %while3A_70, %gt3A : i32
      %convert_element_type3A = arith.extui %gt3A_77 : i1 to i32
      %cond3A = arith.constant 0 : i32
      %cond3A_78 = arith.cmpi ne, %convert_element_type3A, %cond3A : i32
      scf.if %cond3A_78 {
        %dma_wait3A_150 = arith.constant 0 : i32
        %dma_wait3A_151 = arith.constant 0 : i32
        %dma_wait3A_152 = arith.constant 0 : i32
        %dma_wait3A_153 = tpu.memref_slice %arg9[%dma_wait3A_150, %dma_wait3A_151, %dma_wait3A_152] : memref<2x1024x16xf32, #tpu.memory_space<vmem>> -> memref<1x1024x16xf32, #tpu.memory_space<vmem>>
        %dma_wait3A_154 = tpu.memref_squeeze %dma_wait3A_153 : memref<1x1024x16xf32, #tpu.memory_space<vmem>> -> memref<1024x16xf32, #tpu.memory_space<vmem>>
        %dma_wait3A_155 = arith.constant 0 : i32
        %dma_wait3A_156 = tpu.memref_slice %arg8[%add3A_74, %dma_wait3A_155] : memref<14x1024xi32, #tpu.memory_space<vmem>> -> memref<1x1024xi32, #tpu.memory_space<vmem>>
        %dma_wait3A_157 = tpu.memref_squeeze %dma_wait3A_156 : memref<1x1024xi32, #tpu.memory_space<vmem>> -> memref<1024xi32, #tpu.memory_space<vmem>>
        %dma_wait3A_158 = arith.constant 0 : i32
        %dma_wait3A_159 = arith.constant 0 : i32
        %dma_wait3A_160 = tpu.memref_slice %arg10[%dma_wait3A_158, %dma_wait3A_159] : memref<10240x16xf32, #tpu.memory_space<vmem_shared>> -> memref<10240x16xf32, #tpu.memory_space<vmem_shared>>
        tpu.wait_indirect_dma semaphore(%arg13 : memref<!tpu.dma_semaphore, #tpu.memory_space<semaphore_mem>>) src(%dma_wait3A_154 : memref<1024x16xf32, #tpu.memory_space<vmem>>) dst(%dma_wait3A_160 : memref<10240x16xf32, #tpu.memory_space<vmem_shared>>)
      } else {
      }
      %dma_start3A = arith.constant 0 : i32
      %dma_start3A_79 = arith.constant 0 : i32
      %dma_start3A_80 = arith.constant 0 : i32
      %dma_start3A_81 = tpu.memref_slice %arg9[%dma_start3A, %dma_start3A_79, %dma_start3A_80] : memref<2x1024x16xf32, #tpu.memory_space<vmem>> -> memref<1x1024x16xf32, #tpu.memory_space<vmem>>
      %dma_start3A_82 = tpu.memref_squeeze %dma_start3A_81 : memref<1x1024x16xf32, #tpu.memory_space<vmem>> -> memref<1024x16xf32, #tpu.memory_space<vmem>>
      %dma_start3A_83 = arith.constant 0 : i32
      %dma_start3A_84 = tpu.memref_slice %arg7[%add3A_74, %dma_start3A_83] : memref<14x1024xi32, #tpu.memory_space<vmem>> -> memref<1x1024xi32, #tpu.memory_space<vmem>>
      %dma_start3A_85 = tpu.memref_squeeze %dma_start3A_84 : memref<1x1024xi32, #tpu.memory_space<vmem>> -> memref<1024xi32, #tpu.memory_space<vmem>>
      %dma_start3A_86 = arith.constant 0 : i32
      %dma_start3A_87 = arith.constant 0 : i32
      %dma_start3A_88 = tpu.memref_slice %arg4[%dma_start3A_86, %dma_start3A_87] : memref<10000x16xf32, #tpu.memory_space<hbm>> -> memref<10000x16xf32, #tpu.memory_space<hbm>>
      tpu.enqueue_indirect_dma source(%dma_start3A_88 : memref<10000x16xf32, #tpu.memory_space<hbm>>) target(%dma_start3A_82 : memref<1024x16xf32, #tpu.memory_space<vmem>>) offsets(%dma_start3A_85 : memref<1024xi32, #tpu.memory_space<vmem>>) semaphore(%arg11 : memref<!tpu.dma_semaphore, #tpu.memory_space<semaphore_mem>>)
      %gt3A_89 = arith.constant 0 : i32
      %gt3A_90 = arith.cmpi sgt, %while3A_70, %gt3A_89 : i32
      %convert_element_type3A_91 = arith.extui %gt3A_90 : i1 to i32
      %cond3A_92 = arith.constant 0 : i32
      %cond3A_93 = arith.cmpi ne, %convert_element_type3A_91, %cond3A_92 : i32
      scf.if %cond3A_93 {
        %dma_wait3A_150 = arith.constant 1 : i32
        %dma_wait3A_151 = arith.constant 0 : i32
        %dma_wait3A_152 = arith.constant 0 : i32
        %dma_wait3A_153 = tpu.memref_slice %arg9[%dma_wait3A_150, %dma_wait3A_151, %dma_wait3A_152] : memref<2x1024x16xf32, #tpu.memory_space<vmem>> -> memref<1x1024x16xf32, #tpu.memory_space<vmem>>
        %dma_wait3A_154 = tpu.memref_squeeze %dma_wait3A_153 : memref<1x1024x16xf32, #tpu.memory_space<vmem>> -> memref<1024x16xf32, #tpu.memory_space<vmem>>
        %dma_wait3A_155 = arith.constant 0 : i32
        %dma_wait3A_156 = tpu.memref_slice %arg8[%add3A_76, %dma_wait3A_155] : memref<14x1024xi32, #tpu.memory_space<vmem>> -> memref<1x1024xi32, #tpu.memory_space<vmem>>
        %dma_wait3A_157 = tpu.memref_squeeze %dma_wait3A_156 : memref<1x1024xi32, #tpu.memory_space<vmem>> -> memref<1024xi32, #tpu.memory_space<vmem>>
        %dma_wait3A_158 = arith.constant 0 : i32
        %dma_wait3A_159 = arith.constant 0 : i32
        %dma_wait3A_160 = tpu.memref_slice %arg10[%dma_wait3A_158, %dma_wait3A_159] : memref<10240x16xf32, #tpu.memory_space<vmem_shared>> -> memref<10240x16xf32, #tpu.memory_space<vmem_shared>>
        tpu.wait_indirect_dma semaphore(%arg14 : memref<!tpu.dma_semaphore, #tpu.memory_space<semaphore_mem>>) src(%dma_wait3A_154 : memref<1024x16xf32, #tpu.memory_space<vmem>>) dst(%dma_wait3A_160 : memref<10240x16xf32, #tpu.memory_space<vmem_shared>>)
      } else {
      }
      %dma_start3A_94 = arith.constant 1 : i32
      %dma_start3A_95 = arith.constant 0 : i32
      %dma_start3A_96 = arith.constant 0 : i32
      %dma_start3A_97 = tpu.memref_slice %arg9[%dma_start3A_94, %dma_start3A_95, %dma_start3A_96] : memref<2x1024x16xf32, #tpu.memory_space<vmem>> -> memref<1x1024x16xf32, #tpu.memory_space<vmem>>
      %dma_start3A_98 = tpu.memref_squeeze %dma_start3A_97 : memref<1x1024x16xf32, #tpu.memory_space<vmem>> -> memref<1024x16xf32, #tpu.memory_space<vmem>>
      %dma_start3A_99 = arith.constant 0 : i32
      %dma_start3A_100 = tpu.memref_slice %arg7[%add3A_76, %dma_start3A_99] : memref<14x1024xi32, #tpu.memory_space<vmem>> -> memref<1x1024xi32, #tpu.memory_space<vmem>>
      %dma_start3A_101 = tpu.memref_squeeze %dma_start3A_100 : memref<1x1024xi32, #tpu.memory_space<vmem>> -> memref<1024xi32, #tpu.memory_space<vmem>>
      %dma_start3A_102 = arith.constant 0 : i32
      %dma_start3A_103 = arith.constant 0 : i32
      %dma_start3A_104 = tpu.memref_slice %arg4[%dma_start3A_102, %dma_start3A_103] : memref<10000x16xf32, #tpu.memory_space<hbm>> -> memref<10000x16xf32, #tpu.memory_space<hbm>>
      tpu.enqueue_indirect_dma source(%dma_start3A_104 : memref<10000x16xf32, #tpu.memory_space<hbm>>) target(%dma_start3A_98 : memref<1024x16xf32, #tpu.memory_space<vmem>>) offsets(%dma_start3A_101 : memref<1024xi32, #tpu.memory_space<vmem>>) semaphore(%arg12 : memref<!tpu.dma_semaphore, #tpu.memory_space<semaphore_mem>>)
      %dma_wait3A_105 = arith.constant 0 : i32
      %dma_wait3A_106 = arith.constant 0 : i32
      %dma_wait3A_107 = arith.constant 0 : i32
      %dma_wait3A_108 = tpu.memref_slice %arg9[%dma_wait3A_105, %dma_wait3A_106, %dma_wait3A_107] : memref<2x1024x16xf32, #tpu.memory_space<vmem>> -> memref<1x1024x16xf32, #tpu.memory_space<vmem>>
      %dma_wait3A_109 = tpu.memref_squeeze %dma_wait3A_108 : memref<1x1024x16xf32, #tpu.memory_space<vmem>> -> memref<1024x16xf32, #tpu.memory_space<vmem>>
      %dma_wait3A_110 = arith.constant 0 : i32
      %dma_wait3A_111 = tpu.memref_slice %arg7[%add3A_74, %dma_wait3A_110] : memref<14x1024xi32, #tpu.memory_space<vmem>> -> memref<1x1024xi32, #tpu.memory_space<vmem>>
      %dma_wait3A_112 = tpu.memref_squeeze %dma_wait3A_111 : memref<1x1024xi32, #tpu.memory_space<vmem>> -> memref<1024xi32, #tpu.memory_space<vmem>>
      %dma_wait3A_113 = arith.constant 0 : i32
      %dma_wait3A_114 = arith.constant 0 : i32
      %dma_wait3A_115 = tpu.memref_slice %arg4[%dma_wait3A_113, %dma_wait3A_114] : memref<10000x16xf32, #tpu.memory_space<hbm>> -> memref<10000x16xf32, #tpu.memory_space<hbm>>
      tpu.wait_indirect_dma semaphore(%arg11 : memref<!tpu.dma_semaphore, #tpu.memory_space<semaphore_mem>>) src(%dma_wait3A_115 : memref<10000x16xf32, #tpu.memory_space<hbm>>) dst(%dma_wait3A_109 : memref<1024x16xf32, #tpu.memory_space<vmem>>)
      %dma_start3A_116 = arith.constant 0 : i32
      %dma_start3A_117 = arith.constant 0 : i32
      %dma_start3A_118 = arith.constant 0 : i32
      %dma_start3A_119 = tpu.memref_slice %arg9[%dma_start3A_116, %dma_start3A_117, %dma_start3A_118] : memref<2x1024x16xf32, #tpu.memory_space<vmem>> -> memref<1x1024x16xf32, #tpu.memory_space<vmem>>
      %dma_start3A_120 = tpu.memref_squeeze %dma_start3A_119 : memref<1x1024x16xf32, #tpu.memory_space<vmem>> -> memref<1024x16xf32, #tpu.memory_space<vmem>>
      %dma_start3A_121 = arith.constant 0 : i32
      %dma_start3A_122 = tpu.memref_slice %arg8[%add3A_74, %dma_start3A_121] : memref<14x1024xi32, #tpu.memory_space<vmem>> -> memref<1x1024xi32, #tpu.memory_space<vmem>>
      %dma_start3A_123 = tpu.memref_squeeze %dma_start3A_122 : memref<1x1024xi32, #tpu.memory_space<vmem>> -> memref<1024xi32, #tpu.memory_space<vmem>>
      %dma_start3A_124 = arith.constant 0 : i32
      %dma_start3A_125 = arith.constant 0 : i32
      %dma_start3A_126 = tpu.memref_slice %arg10[%dma_start3A_124, %dma_start3A_125] : memref<10240x16xf32, #tpu.memory_space<vmem_shared>> -> memref<10240x16xf32, #tpu.memory_space<vmem_shared>>
      tpu.enqueue_indirect_dma source(%dma_start3A_120 : memref<1024x16xf32, #tpu.memory_space<vmem>>) target(%dma_start3A_126 : memref<10240x16xf32, #tpu.memory_space<vmem_shared>>) offsets(%dma_start3A_123 : memref<1024xi32, #tpu.memory_space<vmem>>) semaphore(%arg13 : memref<!tpu.dma_semaphore, #tpu.memory_space<semaphore_mem>>) {add = true}
      %dma_wait3A_127 = arith.constant 1 : i32
      %dma_wait3A_128 = arith.constant 0 : i32
      %dma_wait3A_129 = arith.constant 0 : i32
      %dma_wait3A_130 = tpu.memref_slice %arg9[%dma_wait3A_127, %dma_wait3A_128, %dma_wait3A_129] : memref<2x1024x16xf32, #tpu.memory_space<vmem>> -> memref<1x1024x16xf32, #tpu.memory_space<vmem>>
      %dma_wait3A_131 = tpu.memref_squeeze %dma_wait3A_130 : memref<1x1024x16xf32, #tpu.memory_space<vmem>> -> memref<1024x16xf32, #tpu.memory_space<vmem>>
      %dma_wait3A_132 = arith.constant 0 : i32
      %dma_wait3A_133 = tpu.memref_slice %arg7[%add3A_76, %dma_wait3A_132] : memref<14x1024xi32, #tpu.memory_space<vmem>> -> memref<1x1024xi32, #tpu.memory_space<vmem>>
      %dma_wait3A_134 = tpu.memref_squeeze %dma_wait3A_133 : memref<1x1024xi32, #tpu.memory_space<vmem>> -> memref<1024xi32, #tpu.memory_space<vmem>>
      %dma_wait3A_135 = arith.constant 0 : i32
      %dma_wait3A_136 = arith.constant 0 : i32
      %dma_wait3A_137 = tpu.memref_slice %arg4[%dma_wait3A_135, %dma_wait3A_136] : memref<10000x16xf32, #tpu.memory_space<hbm>> -> memref<10000x16xf32, #tpu.memory_space<hbm>>
      tpu.wait_indirect_dma semaphore(%arg12 : memref<!tpu.dma_semaphore, #tpu.memory_space<semaphore_mem>>) src(%dma_wait3A_137 : memref<10000x16xf32, #tpu.memory_space<hbm>>) dst(%dma_wait3A_131 : memref<1024x16xf32, #tpu.memory_space<vmem>>)
      %dma_start3A_138 = arith.constant 1 : i32
      %dma_start3A_139 = arith.constant 0 : i32
      %dma_start3A_140 = arith.constant 0 : i32
      %dma_start3A_141 = tpu.memref_slice %arg9[%dma_start3A_138, %dma_start3A_139, %dma_start3A_140] : memref<2x1024x16xf32, #tpu.memory_space<vmem>> -> memref<1x1024x16xf32, #tpu.memory_space<vmem>>
      %dma_start3A_142 = tpu.memref_squeeze %dma_start3A_141 : memref<1x1024x16xf32, #tpu.memory_space<vmem>> -> memref<1024x16xf32, #tpu.memory_space<vmem>>
      %dma_start3A_143 = arith.constant 0 : i32
      %dma_start3A_144 = tpu.memref_slice %arg8[%add3A_76, %dma_start3A_143] : memref<14x1024xi32, #tpu.memory_space<vmem>> -> memref<1x1024xi32, #tpu.memory_space<vmem>>
      %dma_start3A_145 = tpu.memref_squeeze %dma_start3A_144 : memref<1x1024xi32, #tpu.memory_space<vmem>> -> memref<1024xi32, #tpu.memory_space<vmem>>
      %dma_start3A_146 = arith.constant 0 : i32
      %dma_start3A_147 = arith.constant 0 : i32
      %dma_start3A_148 = tpu.memref_slice %arg10[%dma_start3A_146, %dma_start3A_147] : memref<10240x16xf32, #tpu.memory_space<vmem_shared>> -> memref<10240x16xf32, #tpu.memory_space<vmem_shared>>
      tpu.enqueue_indirect_dma source(%dma_start3A_142 : memref<1024x16xf32, #tpu.memory_space<vmem>>) target(%dma_start3A_148 : memref<10240x16xf32, #tpu.memory_space<vmem_shared>>) offsets(%dma_start3A_145 : memref<1024xi32, #tpu.memory_space<vmem>>) semaphore(%arg14 : memref<!tpu.dma_semaphore, #tpu.memory_space<semaphore_mem>>) {add = true}
      %while3A_149 = arith.constant 0 : i32
      scf.yield %while3A_149 : i32
    }
    %while3A_40 = arith.constant 1 : i32
    %while3A_41 = scf.for %while3A_70 = %while3A_37 to %while3A_33 step %while3A_40 iter_args(%while3A_71 = %while3A_39) -> (i32)  : i32 {
      %mul3A_72 = arith.constant 2 : i32
      %mul3A_73 = arith.muli %mul3A_72, %while3A_70 : i32
      %add3A_74 = arith.addi %sub3A, %mul3A_73 : i32
      %add3A_75 = arith.constant 1 : i32
      %add3A_76 = arith.addi %add3A_74, %add3A_75 : i32
      %gt3A = arith.constant 0 : i32
      %gt3A_77 = arith.cmpi sgt, %while3A_70, %gt3A : i32
      %convert_element_type3A = arith.extui %gt3A_77 : i1 to i32
      %cond3A = arith.constant 0 : i32
      %cond3A_78 = arith.cmpi ne, %convert_element_type3A, %cond3A : i32
      scf.if %cond3A_78 {
        %dma_wait3A_150 = arith.constant 0 : i32
        %dma_wait3A_151 = arith.constant 0 : i32
        %dma_wait3A_152 = arith.constant 0 : i32
        %dma_wait3A_153 = tpu.memref_slice %arg9[%dma_wait3A_150, %dma_wait3A_151, %dma_wait3A_152] : memref<2x1024x16xf32, #tpu.memory_space<vmem>> -> memref<1x1024x16xf32, #tpu.memory_space<vmem>>
        %dma_wait3A_154 = tpu.memref_squeeze %dma_wait3A_153 : memref<1x1024x16xf32, #tpu.memory_space<vmem>> -> memref<1024x16xf32, #tpu.memory_space<vmem>>
        %dma_wait3A_155 = arith.constant 0 : i32
        %dma_wait3A_156 = tpu.memref_slice %arg8[%add3A_74, %dma_wait3A_155] : memref<14x1024xi32, #tpu.memory_space<vmem>> -> memref<1x1024xi32, #tpu.memory_space<vmem>>
        %dma_wait3A_157 = tpu.memref_squeeze %dma_wait3A_156 : memref<1x1024xi32, #tpu.memory_space<vmem>> -> memref<1024xi32, #tpu.memory_space<vmem>>
        %dma_wait3A_158 = arith.constant 0 : i32
        %dma_wait3A_159 = arith.constant 0 : i32
        %dma_wait3A_160 = tpu.memref_slice %arg10[%dma_wait3A_158, %dma_wait3A_159] : memref<10240x16xf32, #tpu.memory_space<vmem_shared>> -> memref<10240x16xf32, #tpu.memory_space<vmem_shared>>
        tpu.wait_indirect_dma semaphore(%arg13 : memref<!tpu.dma_semaphore, #tpu.memory_space<semaphore_mem>>) src(%dma_wait3A_154 : memref<1024x16xf32, #tpu.memory_space<vmem>>) dst(%dma_wait3A_160 : memref<10240x16xf32, #tpu.memory_space<vmem_shared>>)
      } else {
      }
      %dma_start3A = arith.constant 0 : i32
      %dma_start3A_79 = arith.constant 0 : i32
      %dma_start3A_80 = arith.constant 0 : i32
      %dma_start3A_81 = tpu.memref_slice %arg9[%dma_start3A, %dma_start3A_79, %dma_start3A_80] : memref<2x1024x16xf32, #tpu.memory_space<vmem>> -> memref<1x1024x16xf32, #tpu.memory_space<vmem>>
      %dma_start3A_82 = tpu.memref_squeeze %dma_start3A_81 : memref<1x1024x16xf32, #tpu.memory_space<vmem>> -> memref<1024x16xf32, #tpu.memory_space<vmem>>
      %dma_start3A_83 = arith.constant 0 : i32
      %dma_start3A_84 = tpu.memref_slice %arg7[%add3A_74, %dma_start3A_83] : memref<14x1024xi32, #tpu.memory_space<vmem>> -> memref<1x1024xi32, #tpu.memory_space<vmem>>
      %dma_start3A_85 = tpu.memref_squeeze %dma_start3A_84 : memref<1x1024xi32, #tpu.memory_space<vmem>> -> memref<1024xi32, #tpu.memory_space<vmem>>
      %dma_start3A_86 = arith.constant 0 : i32
      %dma_start3A_87 = arith.constant 0 : i32
      %dma_start3A_88 = tpu.memref_slice %arg4[%dma_start3A_86, %dma_start3A_87] : memref<10000x16xf32, #tpu.memory_space<hbm>> -> memref<10000x16xf32, #tpu.memory_space<hbm>>
      tpu.enqueue_indirect_dma source(%dma_start3A_88 : memref<10000x16xf32, #tpu.memory_space<hbm>>) target(%dma_start3A_82 : memref<1024x16xf32, #tpu.memory_space<vmem>>) offsets(%dma_start3A_85 : memref<1024xi32, #tpu.memory_space<vmem>>) semaphore(%arg11 : memref<!tpu.dma_semaphore, #tpu.memory_space<semaphore_mem>>)
      %gt3A_89 = arith.constant 0 : i32
      %gt3A_90 = arith.cmpi sgt, %while3A_70, %gt3A_89 : i32
      %convert_element_type3A_91 = arith.extui %gt3A_90 : i1 to i32
      %cond3A_92 = arith.constant 0 : i32
      %cond3A_93 = arith.cmpi ne, %convert_element_type3A_91, %cond3A_92 : i32
      scf.if %cond3A_93 {
        %dma_wait3A_150 = arith.constant 1 : i32
        %dma_wait3A_151 = arith.constant 0 : i32
        %dma_wait3A_152 = arith.constant 0 : i32
        %dma_wait3A_153 = tpu.memref_slice %arg9[%dma_wait3A_150, %dma_wait3A_151, %dma_wait3A_152] : memref<2x1024x16xf32, #tpu.memory_space<vmem>> -> memref<1x1024x16xf32, #tpu.memory_space<vmem>>
        %dma_wait3A_154 = tpu.memref_squeeze %dma_wait3A_153 : memref<1x1024x16xf32, #tpu.memory_space<vmem>> -> memref<1024x16xf32, #tpu.memory_space<vmem>>
        %dma_wait3A_155 = arith.constant 0 : i32
        %dma_wait3A_156 = tpu.memref_slice %arg8[%add3A_76, %dma_wait3A_155] : memref<14x1024xi32, #tpu.memory_space<vmem>> -> memref<1x1024xi32, #tpu.memory_space<vmem>>
        %dma_wait3A_157 = tpu.memref_squeeze %dma_wait3A_156 : memref<1x1024xi32, #tpu.memory_space<vmem>> -> memref<1024xi32, #tpu.memory_space<vmem>>
        %dma_wait3A_158 = arith.constant 0 : i32
        %dma_wait3A_159 = arith.constant 0 : i32
        %dma_wait3A_160 = tpu.memref_slice %arg10[%dma_wait3A_158, %dma_wait3A_159] : memref<10240x16xf32, #tpu.memory_space<vmem_shared>> -> memref<10240x16xf32, #tpu.memory_space<vmem_shared>>
        tpu.wait_indirect_dma semaphore(%arg14 : memref<!tpu.dma_semaphore, #tpu.memory_space<semaphore_mem>>) src(%dma_wait3A_154 : memref<1024x16xf32, #tpu.memory_space<vmem>>) dst(%dma_wait3A_160 : memref<10240x16xf32, #tpu.memory_space<vmem_shared>>)
      } else {
      }
      %dma_start3A_94 = arith.constant 1 : i32
      %dma_start3A_95 = arith.constant 0 : i32
      %dma_start3A_96 = arith.constant 0 : i32
      %dma_start3A_97 = tpu.memref_slice %arg9[%dma_start3A_94, %dma_start3A_95, %dma_start3A_96] : memref<2x1024x16xf32, #tpu.memory_space<vmem>> -> memref<1x1024x16xf32, #tpu.memory_space<vmem>>
      %dma_start3A_98 = tpu.memref_squeeze %dma_start3A_97 : memref<1x1024x16xf32, #tpu.memory_space<vmem>> -> memref<1024x16xf32, #tpu.memory_space<vmem>>
      %dma_start3A_99 = arith.constant 0 : i32
      %dma_start3A_100 = tpu.memref_slice %arg7[%add3A_76, %dma_start3A_99] : memref<14x1024xi32, #tpu.memory_space<vmem>> -> memref<1x1024xi32, #tpu.memory_space<vmem>>
      %dma_start3A_101 = tpu.memref_squeeze %dma_start3A_100 : memref<1x1024xi32, #tpu.memory_space<vmem>> -> memref<1024xi32, #tpu.memory_space<vmem>>
      %dma_start3A_102 = arith.constant 0 : i32
      %dma_start3A_103 = arith.constant 0 : i32
      %dma_start3A_104 = tpu.memref_slice %arg4[%dma_start3A_102, %dma_start3A_103] : memref<10000x16xf32, #tpu.memory_space<hbm>> -> memref<10000x16xf32, #tpu.memory_space<hbm>>
      tpu.enqueue_indirect_dma source(%dma_start3A_104 : memref<10000x16xf32, #tpu.memory_space<hbm>>) target(%dma_start3A_98 : memref<1024x16xf32, #tpu.memory_space<vmem>>) offsets(%dma_start3A_101 : memref<1024xi32, #tpu.memory_space<vmem>>) semaphore(%arg12 : memref<!tpu.dma_semaphore, #tpu.memory_space<semaphore_mem>>)
      %dma_wait3A_105 = arith.constant 0 : i32
      %dma_wait3A_106 = arith.constant 0 : i32
      %dma_wait3A_107 = arith.constant 0 : i32
      %dma_wait3A_108 = tpu.memref_slice %arg9[%dma_wait3A_105, %dma_wait3A_106, %dma_wait3A_107] : memref<2x1024x16xf32, #tpu.memory_space<vmem>> -> memref<1x1024x16xf32, #tpu.memory_space<vmem>>
      %dma_wait3A_109 = tpu.memref_squeeze %dma_wait3A_108 : memref<1x1024x16xf32, #tpu.memory_space<vmem>> -> memref<1024x16xf32, #tpu.memory_space<vmem>>
      %dma_wait3A_110 = arith.constant 0 : i32
      %dma_wait3A_111 = tpu.memref_slice %arg7[%add3A_74, %dma_wait3A_110] : memref<14x1024xi32, #tpu.memory_space<vmem>> -> memref<1x1024xi32, #tpu.memory_space<vmem>>
      %dma_wait3A_112 = tpu.memref_squeeze %dma_wait3A_111 : memref<1x1024xi32, #tpu.memory_space<vmem>> -> memref<1024xi32, #tpu.memory_space<vmem>>
      %dma_wait3A_113 = arith.constant 0 : i32
      %dma_wait3A_114 = arith.constant 0 : i32
      %dma_wait3A_115 = tpu.memref_slice %arg4[%dma_wait3A_113, %dma_wait3A_114] : memref<10000x16xf32, #tpu.memory_space<hbm>> -> memref<10000x16xf32, #tpu.memory_space<hbm>>
      tpu.wait_indirect_dma semaphore(%arg11 : memref<!tpu.dma_semaphore, #tpu.memory_space<semaphore_mem>>) src(%dma_wait3A_115 : memref<10000x16xf32, #tpu.memory_space<hbm>>) dst(%dma_wait3A_109 : memref<1024x16xf32, #tpu.memory_space<vmem>>)
      %dma_start3A_116 = arith.constant 0 : i32
      %dma_start3A_117 = arith.constant 0 : i32
      %dma_start3A_118 = arith.constant 0 : i32
      %dma_start3A_119 = tpu.memref_slice %arg9[%dma_start3A_116, %dma_start3A_117, %dma_start3A_118] : memref<2x1024x16xf32, #tpu.memory_space<vmem>> -> memref<1x1024x16xf32, #tpu.memory_space<vmem>>
      %dma_start3A_120 = tpu.memref_squeeze %dma_start3A_119 : memref<1x1024x16xf32, #tpu.memory_space<vmem>> -> memref<1024x16xf32, #tpu.memory_space<vmem>>
      %dma_start3A_121 = arith.constant 0 : i32
      %dma_start3A_122 = tpu.memref_slice %arg8[%add3A_74, %dma_start3A_121] : memref<14x1024xi32, #tpu.memory_space<vmem>> -> memref<1x1024xi32, #tpu.memory_space<vmem>>
      %dma_start3A_123 = tpu.memref_squeeze %dma_start3A_122 : memref<1x1024xi32, #tpu.memory_space<vmem>> -> memref<1024xi32, #tpu.memory_space<vmem>>
      %dma_start3A_124 = arith.constant 0 : i32
      %dma_start3A_125 = arith.constant 0 : i32
      %dma_start3A_126 = tpu.memref_slice %arg10[%dma_start3A_124, %dma_start3A_125] : memref<10240x16xf32, #tpu.memory_space<vmem_shared>> -> memref<10240x16xf32, #tpu.memory_space<vmem_shared>>
      tpu.enqueue_indirect_dma source(%dma_start3A_120 : memref<1024x16xf32, #tpu.memory_space<vmem>>) target(%dma_start3A_126 : memref<10240x16xf32, #tpu.memory_space<vmem_shared>>) offsets(%dma_start3A_123 : memref<1024xi32, #tpu.memory_space<vmem>>) semaphore(%arg13 : memref<!tpu.dma_semaphore, #tpu.memory_space<semaphore_mem>>) {add = true}
      %dma_wait3A_127 = arith.constant 1 : i32
      %dma_wait3A_128 = arith.constant 0 : i32
      %dma_wait3A_129 = arith.constant 0 : i32
      %dma_wait3A_130 = tpu.memref_slice %arg9[%dma_wait3A_127, %dma_wait3A_128, %dma_wait3A_129] : memref<2x1024x16xf32, #tpu.memory_space<vmem>> -> memref<1x1024x16xf32, #tpu.memory_space<vmem>>
      %dma_wait3A_131 = tpu.memref_squeeze %dma_wait3A_130 : memref<1x1024x16xf32, #tpu.memory_space<vmem>> -> memref<1024x16xf32, #tpu.memory_space<vmem>>
      %dma_wait3A_132 = arith.constant 0 : i32
      %dma_wait3A_133 = tpu.memref_slice %arg7[%add3A_76, %dma_wait3A_132] : memref<14x1024xi32, #tpu.memory_space<vmem>> -> memref<1x1024xi32, #tpu.memory_space<vmem>>
      %dma_wait3A_134 = tpu.memref_squeeze %dma_wait3A_133 : memref<1x1024xi32, #tpu.memory_space<vmem>> -> memref<1024xi32, #tpu.memory_space<vmem>>
      %dma_wait3A_135 = arith.constant 0 : i32
      %dma_wait3A_136 = arith.constant 0 : i32
      %dma_wait3A_137 = tpu.memref_slice %arg4[%dma_wait3A_135, %dma_wait3A_136] : memref<10000x16xf32, #tpu.memory_space<hbm>> -> memref<10000x16xf32, #tpu.memory_space<hbm>>
      tpu.wait_indirect_dma semaphore(%arg12 : memref<!tpu.dma_semaphore, #tpu.memory_space<semaphore_mem>>) src(%dma_wait3A_137 : memref<10000x16xf32, #tpu.memory_space<hbm>>) dst(%dma_wait3A_131 : memref<1024x16xf32, #tpu.memory_space<vmem>>)
      %dma_start3A_138 = arith.constant 1 : i32
      %dma_start3A_139 = arith.constant 0 : i32
      %dma_start3A_140 = arith.constant 0 : i32
      %dma_start3A_141 = tpu.memref_slice %arg9[%dma_start3A_138, %dma_start3A_139, %dma_start3A_140] : memref<2x1024x16xf32, #tpu.memory_space<vmem>> -> memref<1x1024x16xf32, #tpu.memory_space<vmem>>
      %dma_start3A_142 = tpu.memref_squeeze %dma_start3A_141 : memref<1x1024x16xf32, #tpu.memory_space<vmem>> -> memref<1024x16xf32, #tpu.memory_space<vmem>>
      %dma_start3A_143 = arith.constant 0 : i32
      %dma_start3A_144 = tpu.memref_slice %arg8[%add3A_76, %dma_start3A_143] : memref<14x1024xi32, #tpu.memory_space<vmem>> -> memref<1x1024xi32, #tpu.memory_space<vmem>>
      %dma_start3A_145 = tpu.memref_squeeze %dma_start3A_144 : memref<1x1024xi32, #tpu.memory_space<vmem>> -> memref<1024xi32, #tpu.memory_space<vmem>>
      %dma_start3A_146 = arith.constant 0 : i32
      %dma_start3A_147 = arith.constant 0 : i32
      %dma_start3A_148 = tpu.memref_slice %arg10[%dma_start3A_146, %dma_start3A_147] : memref<10240x16xf32, #tpu.memory_space<vmem_shared>> -> memref<10240x16xf32, #tpu.memory_space<vmem_shared>>
      tpu.enqueue_indirect_dma source(%dma_start3A_142 : memref<1024x16xf32, #tpu.memory_space<vmem>>) target(%dma_start3A_148 : memref<10240x16xf32, #tpu.memory_space<vmem_shared>>) offsets(%dma_start3A_145 : memref<1024xi32, #tpu.memory_space<vmem>>) semaphore(%arg14 : memref<!tpu.dma_semaphore, #tpu.memory_space<semaphore_mem>>) {add = true}
      %while3A_149 = arith.constant 0 : i32
      scf.yield %while3A_149 : i32
    }
    %dma_wait3A = arith.constant 0 : i32
    %dma_wait3A_42 = arith.constant 0 : i32
    %dma_wait3A_43 = arith.constant 0 : i32
    %dma_wait3A_44 = arith.constant 0 : i32
    %dma_wait3A_45 = tpu.memref_slice %arg9[%dma_wait3A, %dma_wait3A_43, %dma_wait3A_44] : memref<2x1024x16xf32, #tpu.memory_space<vmem>> -> memref<1x1024x16xf32, #tpu.memory_space<vmem>>
    %dma_wait3A_46 = tpu.memref_squeeze %dma_wait3A_45 : memref<1x1024x16xf32, #tpu.memory_space<vmem>> -> memref<1024x16xf32, #tpu.memory_space<vmem>>
    %dma_wait3A_47 = arith.constant 0 : i32
    %dma_wait3A_48 = tpu.memref_slice %arg8[%dma_wait3A_42, %dma_wait3A_47] : memref<14x1024xi32, #tpu.memory_space<vmem>> -> memref<1x1024xi32, #tpu.memory_space<vmem>>
    %dma_wait3A_49 = tpu.memref_squeeze %dma_wait3A_48 : memref<1x1024xi32, #tpu.memory_space<vmem>> -> memref<1024xi32, #tpu.memory_space<vmem>>
    %dma_wait3A_50 = arith.constant 0 : i32
    %dma_wait3A_51 = arith.constant 0 : i32
    %dma_wait3A_52 = tpu.memref_slice %arg10[%dma_wait3A_50, %dma_wait3A_51] : memref<10240x16xf32, #tpu.memory_space<vmem_shared>> -> memref<10240x16xf32, #tpu.memory_space<vmem_shared>>
    tpu.wait_indirect_dma semaphore(%arg13 : memref<!tpu.dma_semaphore, #tpu.memory_space<semaphore_mem>>) src(%dma_wait3A_46 : memref<1024x16xf32, #tpu.memory_space<vmem>>) dst(%dma_wait3A_52 : memref<10240x16xf32, #tpu.memory_space<vmem_shared>>)
    %dma_wait3A_53 = arith.constant 1 : i32
    %dma_wait3A_54 = arith.constant 1 : i32
    %dma_wait3A_55 = arith.constant 0 : i32
    %dma_wait3A_56 = arith.constant 0 : i32
    %dma_wait3A_57 = tpu.memref_slice %arg9[%dma_wait3A_53, %dma_wait3A_55, %dma_wait3A_56] : memref<2x1024x16xf32, #tpu.memory_space<vmem>> -> memref<1x1024x16xf32, #tpu.memory_space<vmem>>
    %dma_wait3A_58 = tpu.memref_squeeze %dma_wait3A_57 : memref<1x1024x16xf32, #tpu.memory_space<vmem>> -> memref<1024x16xf32, #tpu.memory_space<vmem>>
    %dma_wait3A_59 = arith.constant 0 : i32
    %dma_wait3A_60 = tpu.memref_slice %arg8[%dma_wait3A_54, %dma_wait3A_59] : memref<14x1024xi32, #tpu.memory_space<vmem>> -> memref<1x1024xi32, #tpu.memory_space<vmem>>
    %dma_wait3A_61 = tpu.memref_squeeze %dma_wait3A_60 : memref<1x1024xi32, #tpu.memory_space<vmem>> -> memref<1024xi32, #tpu.memory_space<vmem>>
    %dma_wait3A_62 = arith.constant 0 : i32
    %dma_wait3A_63 = arith.constant 0 : i32
    %dma_wait3A_64 = tpu.memref_slice %arg10[%dma_wait3A_62, %dma_wait3A_63] : memref<10240x16xf32, #tpu.memory_space<vmem_shared>> -> memref<10240x16xf32, #tpu.memory_space<vmem_shared>>
    tpu.wait_indirect_dma semaphore(%arg14 : memref<!tpu.dma_semaphore, #tpu.memory_space<semaphore_mem>>) src(%dma_wait3A_58 : memref<1024x16xf32, #tpu.memory_space<vmem>>) dst(%dma_wait3A_64 : memref<10240x16xf32, #tpu.memory_space<vmem_shared>>)
    %barrier3A_65 = arith.constant 0 : index
    tpu.barrier barrier_id(%barrier3A_65)
    %mul3A_66 = arith.constant 640 : i32
    %mul3A_67 = arith.muli %arg1, %mul3A_66 : i32
    %mul3A_68 = arith.constant 640 : i32
    %mul3A_69 = arith.muli %arg1, %mul3A_68 : i32
    "tpu.region"() ({
      %run_scoped3A = tpu.sem_alloc : memref<!tpu.dma_semaphore, #tpu.memory_space<semaphore_mem>>
      %dma_start3A = arith.constant 0 : i32
      %dma_start3A_70 = tpu.memref_slice %arg6[%arg0, %mul3A_69, %dma_start3A] : memref<2x10240x16xf32, #tpu.memory_space<hbm>> -> memref<1x640x16xf32, #tpu.memory_space<hbm>>
      %dma_start3A_71 = tpu.memref_squeeze %dma_start3A_70 : memref<1x640x16xf32, #tpu.memory_space<hbm>> -> memref<640x16xf32, #tpu.memory_space<hbm>>
      %dma_start3A_72 = arith.constant 0 : i32
      %dma_start3A_73 = tpu.memref_slice %arg10[%mul3A_67, %dma_start3A_72] : memref<10240x16xf32, #tpu.memory_space<vmem_shared>> -> memref<640x16xf32, #tpu.memory_space<vmem_shared>>
      tpu.enqueue_dma source(%dma_start3A_73 : memref<640x16xf32, #tpu.memory_space<vmem_shared>>) target(%dma_start3A_71 : memref<640x16xf32, #tpu.memory_space<hbm>>) target_semaphore(%run_scoped3A : memref<!tpu.dma_semaphore, #tpu.memory_space<semaphore_mem>>)
      %dma_wait3A_74 = arith.constant 0 : i32
      %dma_wait3A_75 = tpu.memref_slice %arg6[%arg0, %mul3A_69, %dma_wait3A_74] : memref<2x10240x16xf32, #tpu.memory_space<hbm>> -> memref<1x640x16xf32, #tpu.memory_space<hbm>>
      %dma_wait3A_76 = tpu.memref_squeeze %dma_wait3A_75 : memref<1x640x16xf32, #tpu.memory_space<hbm>> -> memref<640x16xf32, #tpu.memory_space<hbm>>
      %dma_wait3A_77 = arith.constant 0 : i32
      %dma_wait3A_78 = tpu.memref_slice %arg10[%mul3A_67, %dma_wait3A_77] : memref<10240x16xf32, #tpu.memory_space<vmem_shared>> -> memref<640x16xf32, #tpu.memory_space<vmem_shared>>
      tpu.wait_dma2 semaphore(%run_scoped3A : memref<!tpu.dma_semaphore, #tpu.memory_space<semaphore_mem>>) src(%dma_wait3A_78 : memref<640x16xf32, #tpu.memory_space<vmem_shared>>) dst(%dma_wait3A_76 : memref<640x16xf32, #tpu.memory_space<hbm>>)
      tpu.yield
    }) : () -> ()
    return
  }
}

module attributes {stable_mosaic.version = 14 : i64} {
  func.func @_prep_body(%arg0: memref<10000x128xf32, #tpu.memory_space<vmem>>, %arg1: memref<128x16xf32, #tpu.memory_space<vmem>>, %arg2: memref<2x10240x8xf32, #tpu.memory_space<vmem>>, %arg3: memref<10000x16xf32, #tpu.memory_space<vmem>>, %arg4: memref<10000x1xf32, #tpu.memory_space<vmem>>) attributes {dimension_semantics = [], scalar_prefetch = 0 : i64, scratch_operands = 0 : i64, tpu.core_type = #tpu.core_type<tc>} {
    %get3A = arith.constant 0 : index
    %get3A_0 = arith.constant 0 : index
    %get3A_1 = arith.constant 0 : index
    %get3A_2 = vector.load %arg2[%get3A, %get3A_0, %get3A_1] : memref<2x10240x8xf32, #tpu.memory_space<vmem>>, vector<1x10000x1xf32>
    %get3A_3 = vector.shape_cast %get3A_2 : vector<1x10000x1xf32> to vector<10000x1xf32>
    %get3A_4 = arith.constant 1 : index
    %get3A_5 = arith.constant 0 : index
    %get3A_6 = arith.constant 0 : index
    %get3A_7 = vector.load %arg2[%get3A_4, %get3A_5, %get3A_6] : memref<2x10240x8xf32, #tpu.memory_space<vmem>>, vector<1x10000x1xf32>
    %get3A_8 = vector.shape_cast %get3A_7 : vector<1x10000x1xf32> to vector<10000x1xf32>
    %add3A = arith.addf %get3A_3, %get3A_8 : vector<10000x1xf32>
    %add3A_9 = arith.constant 1.000000e+00 : f32
    %add3A_10 = vector.broadcast %add3A_9 : f32 to vector<10000x1xf32>
    %add3A_11 = arith.addf %add3A, %add3A_10 : vector<10000x1xf32>
    %rsqrt3A = math.rsqrt %add3A_11 : vector<10000x1xf32>
    %get3A_12 = arith.constant 0 : index
    %get3A_13 = arith.constant 0 : index
    %get3A_14 = vector.load %arg0[%get3A_12, %get3A_13] : memref<10000x128xf32, #tpu.memory_space<vmem>>, vector<10000x128xf32>
    %get3A_15 = arith.constant 0 : index
    %get3A_16 = arith.constant 0 : index
    %get3A_17 = vector.load %arg1[%get3A_15, %get3A_16] : memref<128x16xf32, #tpu.memory_space<vmem>>, vector<128x16xf32>
    %dot_general3A = arith.constant dense<0.000000e+00> : vector<10000x16xf32>
    %dot_general3A_18 = tpu.matmul %get3A_14, %get3A_17, %dot_general3A {dimension_numbers = #tpu.dot_dimension_numbers<[1], [0], [0], [1], [0, 0, 1, 1], [], []>, transpose_lhs_hint = false} : vector<10000x128xf32>, vector<128x16xf32>, vector<10000x16xf32> -> vector<10000x16xf32>
    %mul3A = vector.broadcast %rsqrt3A : vector<10000x1xf32> to vector<10000x16xf32>
    %mul3A_19 = arith.mulf %dot_general3A_18, %mul3A : vector<10000x16xf32>
    %swap3A = arith.constant 0 : index
    %swap3A_20 = arith.constant 0 : index
    %swap3A_21 = vector.load %arg3[%swap3A, %swap3A_20] : memref<10000x16xf32, #tpu.memory_space<vmem>>, vector<10000x16xf32>
    tpu.vector_store %arg3[%swap3A, %swap3A_20], %mul3A_19 {strides = array<i32>} : memref<10000x16xf32, #tpu.memory_space<vmem>>, vector<10000x16xf32>,
    %swap3A_22 = arith.constant 0 : index
    %swap3A_23 = arith.constant 0 : index
    %swap3A_24 = vector.load %arg4[%swap3A_22, %swap3A_23] : memref<10000x1xf32, #tpu.memory_space<vmem>>, vector<10000x1xf32>
    tpu.vector_store %arg4[%swap3A_22, %swap3A_23], %rsqrt3A {strides = array<i32>} : memref<10000x1xf32, #tpu.memory_space<vmem>>, vector<10000x1xf32>,
    return
  }
}

module attributes {stable_mosaic.version = 14 : i64} {
  func.func @_mid_body(%arg0: memref<2x10240x16xf32, #tpu.memory_space<vmem>>, %arg1: memref<10000x16xf32, #tpu.memory_space<vmem>>, %arg2: memref<10000x1xf32, #tpu.memory_space<vmem>>, %arg3: memref<1x16xf32, #tpu.memory_space<vmem>>, %arg4: memref<16x8xf32, #tpu.memory_space<vmem>>, %arg5: memref<10000x8xf32, #tpu.memory_space<vmem>>) attributes {dimension_semantics = [], scalar_prefetch = 0 : i64, scratch_operands = 0 : i64, tpu.core_type = #tpu.core_type<tc>} {
    %get3A = arith.constant 0 : index
    %get3A_0 = arith.constant 0 : index
    %get3A_1 = vector.load %arg2[%get3A, %get3A_0] : memref<10000x1xf32, #tpu.memory_space<vmem>>, vector<10000x1xf32>
    %get3A_2 = arith.constant 0 : index
    %get3A_3 = arith.constant 0 : index
    %get3A_4 = arith.constant 0 : index
    %get3A_5 = vector.load %arg0[%get3A_2, %get3A_3, %get3A_4] : memref<2x10240x16xf32, #tpu.memory_space<vmem>>, vector<1x10000x16xf32>
    %get3A_6 = vector.shape_cast %get3A_5 : vector<1x10000x16xf32> to vector<10000x16xf32>
    %get3A_7 = arith.constant 1 : index
    %get3A_8 = arith.constant 0 : index
    %get3A_9 = arith.constant 0 : index
    %get3A_10 = vector.load %arg0[%get3A_7, %get3A_8, %get3A_9] : memref<2x10240x16xf32, #tpu.memory_space<vmem>>, vector<1x10000x16xf32>
    %get3A_11 = vector.shape_cast %get3A_10 : vector<1x10000x16xf32> to vector<10000x16xf32>
    %add3A = arith.addf %get3A_6, %get3A_11 : vector<10000x16xf32>
    %get3A_12 = arith.constant 0 : index
    %get3A_13 = arith.constant 0 : index
    %get3A_14 = vector.load %arg1[%get3A_12, %get3A_13] : memref<10000x16xf32, #tpu.memory_space<vmem>>, vector<10000x16xf32>
    %add3A_15 = arith.addf %add3A, %get3A_14 : vector<10000x16xf32>
    %mul3A = vector.broadcast %get3A_1 : vector<10000x1xf32> to vector<10000x16xf32>
    %mul3A_16 = arith.mulf %add3A_15, %mul3A : vector<10000x16xf32>
    %get3A_17 = arith.constant 0 : index
    %get3A_18 = arith.constant 0 : index
    %get3A_19 = vector.load %arg3[%get3A_17, %get3A_18] : memref<1x16xf32, #tpu.memory_space<vmem>>, vector<1x16xf32>
    %add3A_20 = vector.broadcast %get3A_19 : vector<1x16xf32> to vector<10000x16xf32>
    %add3A_21 = arith.addf %mul3A_16, %add3A_20 : vector<10000x16xf32>
    %max3A = arith.constant 0.000000e+00 : f32
    %max3A_22 = vector.broadcast %max3A : f32 to vector<10000x16xf32>
    %max3A_23 = arith.maximumf %add3A_21, %max3A_22 : vector<10000x16xf32>
    %get3A_24 = arith.constant 0 : index
    %get3A_25 = arith.constant 0 : index
    %get3A_26 = vector.load %arg4[%get3A_24, %get3A_25] : memref<16x8xf32, #tpu.memory_space<vmem>>, vector<16x8xf32>
    %dot_general3A = arith.constant dense<0.000000e+00> : vector<10000x8xf32>
    %dot_general3A_27 = tpu.matmul %max3A_23, %get3A_26, %dot_general3A {dimension_numbers = #tpu.dot_dimension_numbers<[1], [0], [0], [1], [0, 0, 1, 1], [], []>, transpose_lhs_hint = false} : vector<10000x16xf32>, vector<16x8xf32>, vector<10000x8xf32> -> vector<10000x8xf32>
    %mul3A_28 = vector.broadcast %get3A_1 : vector<10000x1xf32> to vector<10000x8xf32>
    %mul3A_29 = arith.mulf %dot_general3A_27, %mul3A_28 : vector<10000x8xf32>
    %swap3A = arith.constant 0 : index
    %swap3A_30 = arith.constant 0 : index
    %swap3A_31 = vector.load %arg5[%swap3A, %swap3A_30] : memref<10000x8xf32, #tpu.memory_space<vmem>>, vector<10000x8xf32>
    tpu.vector_store %arg5[%swap3A, %swap3A_30], %mul3A_29 {strides = array<i32>} : memref<10000x8xf32, #tpu.memory_space<vmem>>, vector<10000x8xf32>,
    return
  }
}

module attributes {stable_mosaic.version = 14 : i64} {
  func.func @_fin_body(%arg0: memref<2x10240x8xf32, #tpu.memory_space<vmem>>, %arg1: memref<10000x8xf32, #tpu.memory_space<vmem>>, %arg2: memref<10000x1xf32, #tpu.memory_space<vmem>>, %arg3: memref<1x8xf32, #tpu.memory_space<vmem>>, %arg4: memref<1x8xf32, #tpu.memory_space<vmem>>) attributes {dimension_semantics = [], scalar_prefetch = 0 : i64, scratch_operands = 0 : i64, tpu.core_type = #tpu.core_type<tc>} {
    %get3A = arith.constant 0 : index
    %get3A_0 = arith.constant 0 : index
    %get3A_1 = vector.load %arg2[%get3A, %get3A_0] : memref<10000x1xf32, #tpu.memory_space<vmem>>, vector<10000x1xf32>
    %get3A_2 = arith.constant 0 : index
    %get3A_3 = arith.constant 0 : index
    %get3A_4 = arith.constant 0 : index
    %get3A_5 = vector.load %arg0[%get3A_2, %get3A_3, %get3A_4] : memref<2x10240x8xf32, #tpu.memory_space<vmem>>, vector<1x10000x8xf32>
    %get3A_6 = vector.shape_cast %get3A_5 : vector<1x10000x8xf32> to vector<10000x8xf32>
    %get3A_7 = arith.constant 1 : index
    %get3A_8 = arith.constant 0 : index
    %get3A_9 = arith.constant 0 : index
    %get3A_10 = vector.load %arg0[%get3A_7, %get3A_8, %get3A_9] : memref<2x10240x8xf32, #tpu.memory_space<vmem>>, vector<1x10000x8xf32>
    %get3A_11 = vector.shape_cast %get3A_10 : vector<1x10000x8xf32> to vector<10000x8xf32>
    %add3A = arith.addf %get3A_6, %get3A_11 : vector<10000x8xf32>
    %get3A_12 = arith.constant 0 : index
    %get3A_13 = arith.constant 0 : index
    %get3A_14 = vector.load %arg1[%get3A_12, %get3A_13] : memref<10000x8xf32, #tpu.memory_space<vmem>>, vector<10000x8xf32>
    %add3A_15 = arith.addf %add3A, %get3A_14 : vector<10000x8xf32>
    %mul3A = vector.broadcast %get3A_1 : vector<10000x1xf32> to vector<10000x8xf32>
    %mul3A_16 = arith.mulf %add3A_15, %mul3A : vector<10000x8xf32>
    %get3A_17 = arith.constant 0 : index
    %get3A_18 = arith.constant 0 : index
    %get3A_19 = vector.load %arg3[%get3A_17, %get3A_18] : memref<1x8xf32, #tpu.memory_space<vmem>>, vector<1x8xf32>
    %add3A_20 = vector.broadcast %get3A_19 : vector<1x8xf32> to vector<10000x8xf32>
    %add3A_21 = arith.addf %mul3A_16, %add3A_20 : vector<10000x8xf32>
    %reduce_sum3A = arith.constant dense<0.000000e+00> : vector<8xf32>
    %reduce_sum3A_22 = vector.multi_reduction <add>, %add3A_21, %reduce_sum3A [0] : vector<10000x8xf32> to vector<8xf32>
    %broadcast_in_dim3A = vector.shape_cast %reduce_sum3A_22 : vector<8xf32> to vector<1x8xf32>
    %mul3A_23 = arith.constant 9.99999974E-5 : f32
    %mul3A_24 = vector.broadcast %mul3A_23 : f32 to vector<1x8xf32>
    %mul3A_25 = arith.mulf %broadcast_in_dim3A, %mul3A_24 : vector<1x8xf32>
    %iota3A = tpu.iota {dimensions = array<i32: 1>} : vector<1x8xi32>
    %lt3A = arith.constant 6 : i32
    %lt3A_26 = vector.broadcast %lt3A : i32 to vector<1x8xi32>
    %lt3A_27 = arith.cmpi slt, %iota3A, %lt3A_26 : vector<1x8xi32>
    %jit3A = arith.constant -1.000000e+30 : f32
    %broadcast_in_dim3A_28 = vector.broadcast %jit3A : f32 to vector<1x8xf32>
    %select_n3A = arith.select %lt3A_27, %mul3A_25, %broadcast_in_dim3A_28 : vector<1x8xi1>, vector<1x8xf32>
    %reduce_max3A = arith.constant dense<0xFF800000> : vector<1xf32>
    %reduce_max3A_29 = vector.multi_reduction <maximumf>, %select_n3A, %reduce_max3A [1] : vector<1x8xf32> to vector<1xf32>
    %broadcast_in_dim3A_30 = vector.shape_cast %reduce_max3A_29 : vector<1xf32> to vector<1x1xf32>
    %sub3A = vector.broadcast %broadcast_in_dim3A_30 : vector<1x1xf32> to vector<1x8xf32>
    %sub3A_31 = arith.subf %mul3A_25, %sub3A : vector<1x8xf32>
    %exp3A = math.exp %sub3A_31 : vector<1x8xf32>
    %jit3A_32 = arith.constant 0.000000e+00 : f32
    %broadcast_in_dim3A_33 = vector.broadcast %jit3A_32 : f32 to vector<1x8xf32>
    %select_n3A_34 = arith.select %lt3A_27, %exp3A, %broadcast_in_dim3A_33 : vector<1x8xi1>, vector<1x8xf32>
    %reduce_sum3A_35 = arith.constant dense<0.000000e+00> : vector<1xf32>
    %reduce_sum3A_36 = vector.multi_reduction <add>, %select_n3A_34, %reduce_sum3A_35 [1] : vector<1x8xf32> to vector<1xf32>
    %broadcast_in_dim3A_37 = vector.shape_cast %reduce_sum3A_36 : vector<1xf32> to vector<1x1xf32>
    %log3A = math.log %broadcast_in_dim3A_37 : vector<1x1xf32>
    %sub3A_38 = vector.broadcast %log3A : vector<1x1xf32> to vector<1x8xf32>
    %sub3A_39 = arith.subf %sub3A_31, %sub3A_38 : vector<1x8xf32>
    %swap3A = arith.constant 0 : index
    %swap3A_40 = arith.constant 0 : index
    %swap3A_41 = vector.load %arg4[%swap3A, %swap3A_40] : memref<1x8xf32, #tpu.memory_space<vmem>>, vector<1x8xf32>
    tpu.vector_store %arg4[%swap3A, %swap3A_40], %sub3A_39 {strides = array<i32>} : memref<1x8xf32, #tpu.memory_space<vmem>>, vector<1x8xf32>,
    return
  }
}

</mosaic_0001>

<sc_bundles>
// kernel: kernel.11.cloned.1.call-start
scs
__scs_entry_jumppad:
0x0: {  	(pc) =	sbr.rel $0x88, $3  }
0x1: {  	(tag) =	ssettag $0x0;
	lr =	simm.s32 $0x1  }
0x2: {  	[smem:$0x3F9B] =	sst lr;
	_ =	strace $0xD0000000  }
0x3: {  	_ = 	snop  }
0x4: {  	_ = 	snop  }
0x5: {  	_ = 	snop  }
0x6: {  	_ = 	snop  }
0x7: {  	_ = 	snop  }
__scs_overlays_trampoline_lowered:
0x8: {  	[smem:$0x3FAA] =	sst s0  }
0x9: {  	[smem:$0x3FAB] =	sst s1  }
0xa: {  	[smem:$0x3FAC] =	sst s2  }
0xb: {  	[smem:$0x3FAD] =	sst s3  }
0xc: {  	[smem:$0x3FAE] =	sst s4  }
0xd: {  	[smem:$0x3FAF] =	sst s5  }
0xe: {  	[smem:$0x3FB0] =	sst s6  }
0xf: {  	[smem:$0x3FB1] =	sst s7  }
0x10: {  	[smem:$0x3FB2] =	sst s8  }
0x11: {  	[smem:$0x3FB3] =	sst s9;
	s0 =	simm.s32 @!p0 $0x0  }
0x12: {  	s1 =	sld [smem:$0x3F99];
	s0 =	simm.s32 @p0 $0x1  }
0x13: {  	[smem:$0x3FB4] =	sst s0;
	s0 =	simm.s32 @!p1 $0x0  }
0x14: {  	s2 =	sld [smem:$0x3F98];
	s0 =	simm.s32 @p1 $0x1  }
0x15: {  	[smem:$0x3FB5] =	sst s0;
	s0 =	simm.s32 @!p2 $0x0  }
0x16: {  	s3 =	sld [smem:$0x3FDB];
	s0 =	simm.s32 @p2 $0x1  }
0x17: {  	s4 =	simm.s32 $0x1BF5;
	[smem:$0x3FB7] =	sst s0  }
0x18: {  	s0 =	sld [smem:$0x3F9A];
	_ =	swait.ge [sflag:s4], $0x0  }
0x19: {  	s7 =	sld [smem:$0x3F9B]  }
0x1a: {  	s8 =	sadd.s32 $0xFFFFE003, lr  }
0x1b: {  	s9 =	sadd.s32 $0xFFFFFEF7, lr;
	s5 =	simm.s32 $0xFFFFFFFF;
	p2 =	slt.u32 s8, $0xFFFFF086  }
0x1c: {  	p1 =	slt.u32 s9, $0xF7A;
	s5 =	simm.s32 @!p2 $0x0  }
0x1d: {  	s5 =	simm.s32 @p1 $0x1;
	p0 =	seq.s32 s7, s2  }
0x1e: {  	s7 =	smul.u32 @!p0 $0xF7A, s2;
	p2 =	seq.s32 @!p0 s5, $0x0  }
0x1f: {  	s9 =	smul.u32 $0xF7A, s1;
	s8 =	simm.s32 @!p0 $0x1BF5;
	p2 =	por !p2, p0  }
0x20: {  	[sflag:s8] =	ssyncset.s32 @!p0 $0xFFFFF086;
	s6 =	sadd.s32 @!p0 s3, s7;
	s7 =	simm.s32 @!p0 $0x108  }
0x21: {  	s3 =	sadd.s32 s3, s9;
	s6 =	sadd.s32 @!p0 $0x88, s6;
	s7 =	simm.s32 @p2 $0x1082  }
0x22: {  	[simem:s7], [sflag:s8] =	dma.local @!p0 [hbm:s6], $0xF7A  }
0x23: {  	s9 =	sor.u32 $0xD0000000, s2;
	s6 =	simm.s32 $0x108;
	_ =	swait.ge @!p0 [sflag:s8], $0x0  }
0x24: {  	s3 =	sadd.s32 $0x88, s3;
	s6 =	simm.s32 @!p1 $0x1082;
	[sflag:s4] =	ssyncset.s32 $0xFFFFF086  }
0x25: {  	[simem:s6], [sflag:s4] =	dma.local [hbm:s3], $0xF7A  }
0x26: {  	[smem:$0x3F9B] =	sst s1;
	(tag) =	ssettag s2;
	_ =	strace s9  }
0x27: {  	s1 =	sld [smem:$0x3FAB]  }
0x28: {  	s2 =	sld [smem:$0x3FAC]  }
0x29: {  	s4 =	sld [smem:$0x3FAE]  }
0x2a: {  	p0 =	seq.s32 s5, $0x0;
	s5 =	sld [smem:$0x3FAF]  }
0x2b: {  	s6 =	sld [smem:$0x3FB0]  }
0x2c: {  	s7 =	sld [smem:$0x3FB1]  }
0x2d: {  	s3 =	simm.s32 $0x108;
	s8 =	sld [smem:$0x3FB2]  }
0x2e: {  	s3 =	simm.s32 @!p0 $0x1082;
	s9 =	sld [smem:$0x3FB3]  }
0x2f: {  	lr =	sadd.s32 s0, s3;
	s0 =	sld [smem:$0x3FAA]  }
0x30: {  	s3 =	sld [smem:$0x3FAD]  }
0x31: {  	[smem:$0x3FB6] =	sst s10  }
0x32: {  	s10 =	sld [smem:$0x3FB4];
	_ =	sdelay $0x3  }
0x33: {  	p0 =	seq.s32 s10, $0x1;
	s10 =	sld [smem:$0x3FB6];
	_ =	sdelay $0x3  }
0x34: {  	[smem:$0x3FB6] =	sst s10  }
0x35: {  	s10 =	sld [smem:$0x3FB5];
	_ =	sdelay $0x3  }
0x36: {  	p1 =	seq.s32 s10, $0x1;
	s10 =	sld [smem:$0x3FB6];
	_ =	sdelay $0x3  }
0x37: {  	[smem:$0x3FB6] =	sst s10  }
0x38: {  	s10 =	sld [smem:$0x3FB7]  }
0x39: {  	_ = 	snop;
	(pc) =	sbr.ind lr, $3  }
0x3a: {  	_ = 	snop  }
0x3b: {  	_ = 	snop  }
0x3c: {  	p2 =	seq.s32 s10, $0x1;
	s10 =	sld [smem:$0x3FB6]  }
0x3d: {  	_ =	shalt  }
0x3e: {  	_ =	shalt  }
0x3f: {  	_ =	shalt  }
0x40: {  	_ =	shalt  }
0x41: {  	_ =	shalt  }
0x42: {  	_ =	shalt  }
0x43: {  	_ =	shalt  }
0x44: {  	_ =	shalt  }
0x45: {  	_ =	shalt  }
0x46: {  	_ =	shalt  }
0x47: {  	_ =	shalt  }
0x48: {  	_ =	shalt  }
0x49: {  	_ =	shalt  }
0x4a: {  	_ =	shalt  }
0x4b: {  	_ =	shalt  }
0x4c: {  	_ =	shalt  }
0x4d: {  	_ =	shalt  }
0x4e: {  	_ =	shalt  }
0x4f: {  	_ =	shalt  }
0x50: {  	_ =	shalt  }
0x51: {  	_ =	shalt  }
0x52: {  	_ =	shalt  }
0x53: {  	_ =	shalt  }
0x54: {  	_ =	shalt  }
0x55: {  	_ =	shalt  }
0x56: {  	_ =	shalt  }
0x57: {  	_ =	shalt  }
0x58: {  	_ =	shalt  }
0x59: {  	_ =	shalt  }
0x5a: {  	_ =	shalt  }
0x5b: {  	_ =	shalt  }
0x5c: {  	_ =	shalt  }
0x5d: {  	_ =	shalt  }
0x5e: {  	_ =	shalt  }
0x5f: {  	_ =	shalt  }
0x60: {  	_ =	shalt  }
0x61: {  	_ =	shalt  }
0x62: {  	_ =	shalt  }
0x63: {  	_ =	shalt  }
0x64: {  	_ =	shalt  }
0x65: {  	_ =	shalt  }
0x66: {  	_ =	shalt  }
0x67: {  	_ =	shalt  }
0x68: {  	_ =	shalt  }
0x69: {  	_ =	shalt  }
0x6a: {  	_ =	shalt  }
0x6b: {  	_ =	shalt  }
0x6c: {  	_ =	shalt  }
0x6d: {  	_ =	shalt  }
0x6e: {  	_ =	shalt  }
0x6f: {  	_ =	shalt  }
0x70: {  	_ =	shalt  }
0x71: {  	_ =	shalt  }
0x72: {  	_ =	shalt  }
0x73: {  	_ =	shalt  }
0x74: {  	_ =	shalt  }
0x75: {  	_ =	shalt  }
0x76: {  	_ =	shalt  }
0x77: {  	_ =	shalt  }
0x78: {  	_ =	shalt  }
0x79: {  	_ =	shalt  }
0x7a: {  	_ =	shalt  }
0x7b: {  	_ =	shalt  }
0x7c: {  	_ =	shalt  }
0x7d: {  	_ =	shalt  }
0x7e: {  	_ =	shalt  }
0x7f: {  	_ =	shalt  }
0x80: {  	_ =	shalt  }
0x81: {  	_ =	shalt  }
0x82: {  	_ =	shalt  }
0x83: {  	_ =	shalt  }
0x84: {  	_ =	shalt  }
0x85: {  	_ =	shalt  }
0x86: {  	_ =	shalt  }
0x87: {  	_ =	shalt  }
.Lfunc_end0:
.L_simem_size_0:
called_computation.1_lowered:
.L_overlay_start_0:
0x88: {  	s2 =	sld [smem:$0x3FD9]  }
0x89: {  	s3 =	sld [smem:$0x3FFE];
	_ =	sdelay $0x1  }
0x8a: {  	s1 =	srdreg.scid  }
0x8b: {  	s0 =	sand.u32 $0x1, s1  }
0x8c: {  	s16 =	sshll.u32 s0, $0xA;
	s2 =	sadd.s32 s3, s2  }
0x8d: {  	s2 =	sadd.s32 s2, s16  }
0x8e: {  	[smem:$0x3FC2] =	sst s2  }
0x8f: {  	_ = 	snop  }
0x90: {  	(tm) =	ssettm $0x1  }
0x91: {  	s17 =	sld [smem:$0x3FFB];
	_ =	sdelay $0x3  }
0x92: {  	_ =	strace s17  }
0x93: {  	s2 =	sld [smem:$0x3FFC];
	_ =	sdelay $0x3  }
0x94: {  	_ =	strace s2  }
0x95: {  	s2 =	sld [smem:$0x3FFD];
	_ =	sdelay $0x3  }
0x96: {  	_ =	strace s2  }
0x97: {  	_ =	strace $0x8FFFFFFF  }
0x98: {  	s18 =	sld [smem:$0x3FDB];
	_ =	sdelay $0x1  }
0x99: {  	s19 =	simm.s32 $_scs_section_size  }
0x9a: {  	s4 =	simm.s32 $_size__tile_overlayer_lowered;
	s5 =	simm.s32 $_tile_overlayer_lowered  }
0x9b: {  	s22 =	simm.s32 $0x1BFF;
	s21 =	sshll.u32 s5, $0x1;
	s2 =	sadd.s32 s19, s18  }
0x9c: {  	s6 =	simm.s32 $0x0;
	s20 =	sshll.u32 s4, $0x1;
	s4 =	sadd.s32 s21, s2  }
0x9d: {  	[timem:s6], [sflag:s22] =	dma.local [hbm:s4], s20  }
0x9e: {  	_ =	swait.ge [sflag:s22], s20  }
0x9f: {  	s3 =	ssub.s32 $0x0, s20;
	[sflag:s22] =	ssyncset.done $0x0  }
0xa0: {  	[sflag:s22] =	ssyncadd.s32 s3;
	_ =	sdelay $0x1  }
0xa1: {  	s23 =	simm.s32 $0x1B8B  }
0xa2: {  	_ =	swait.ge [sflag:s23], $0x1  }
0xa3: {  	[sflag:s23] =	ssyncset.done $0x0  }
0xa4: {  	s25 =	simm.s32 $0x1B8E;
	s24 =	sld [smem:$0x3FFE];
	[sflag:s23] =	ssyncadd.s32 $0xFFFFFFFF  }
0xa5: {  	s26 =	simm.s32 $execute0_lowered;
	[smem:$0x3FD2] =	sst s25  }
0xa6: {  	s4 =	sshll.u32 s26, $0x1;
	_ =	strace $0x80000049;
	[dreg:$0x1] =	wrdreg $0xFFFFFFFF  }
0xa7: {  	s28 =	simm.s32 $_size_execute0_lowered;
	s2 =	sadd.s32 s2, s4;
	[dreg:$0x0] =	wrdreg $0x0  }
0xa8: {  	s4 =	sshll.u32 s28, $0x1;
	[dreg:$0x2] =	wrdreg s2  }
0xa9: {  	[dreg:$0x3] =	wrdreg s4  }
0xaa: {  	[dreg:$0x4] =	wrdreg $0xC0  }
0xab: {  	_ =	task [dreg:s6], $0x5FFFF  }
0xac: {  	[dreg:$0x1] =	wrdreg $0xFFFFFFFF  }
0xad: {  	[dreg:$0x0] =	wrdreg $0x60  }
0xae: {  	[dreg:$0x2] =	wrdreg s24  }
0xaf: {  	[dreg:$0x3] =	wrdreg $0xF0000  }
0xb0: {  	[dreg:$0x4] =	wrdreg $0x9  }
0xb1: {  	_ =	task.clear_ibuf [dreg:s6], $0x5FFFF;
	_ =	strace $0x90000049  }
0xb2: {  	s29 =	simm.s32 $0x9;
	_ =	strace $0x8000004B  }
0xb3: {  	_ =	swait.ge [sflag:s29], $0x1  }
0xb4: {  	[sflag:s29] =	ssyncadd.s32 $0xFFFFFFFF  }
0xb5: {  	_ =	strace $0x9000004B  }
0xb6: {  	_ =	sfence  }
0xb7: {  	s30 =	sld [smem:$0x0];
	_ =	sdelay $0x2  }
0xb8: {  	s31 =	sshll.u32 s1, $0xD;
	s1 =	sshrl.u32 s1, $0x2  }
0xb9: {  	s3 =	sand.u32 $0x4000, s31;
	s1 =	sadd.s32 s1, s30  }
0xba: {  	s0 =	sor.u32 s3, s0;
	s1 =	sshll.u32 s1, $0x11  }
0xbb: {  	s0 =	sor.u32 s1, s0  }
0xbc: {  	s0 =	sadd.s32 $0x8F2B, s0  }
0xbd: {  	[sflag:s0] =	ssyncadd.remote.s32 $0x1  }
0xbe: {  	_ =	sfence.sel $0xFFFF  }
0xbf: {  	[dreg:$0x0] =	wrdreg $0xFFFFFFFF;
	(pc) =	sbr.abs _section_cstart, $3  }
0xc0: {  	[dreg:$0x1] =	wrdreg $0xFFFFFFFF  }
0xc1: {  	_ =	task.clear_ibuf [dreg:s6], $0x2FFFF;
	_ =	strace $0x9FFFFFFF  }
0xc2: {  	(tm) =	ssettm $0x7FFFFFFF  }
0xc3: {  	_ =	shalt  }
tec
execute0_lowered:
.L_overlay_start_1:
0x0: {  	(tag) =	ssettag $0x1  }
0x1: {  	s10 =	stileid.u32;
	s3 =	rddreg [dreg:$0x0]  }
0x2: {  	s0 =	srdreg.scid;
	s2 =	rddreg [dreg:$0x1];
	s4 =	simm.s32 $0x0  }
0x3: {  	s21 =	simm.s32 $0x5;
	s28 =	simm.s32 $0x3;
	s1 =	smul.u32 $0x6, s10  }
0x4: {  	s29 =	simm.s32 $0x4;
	s30 =	simm.s32 $0x0;
	s16 =	smul.u32 $0xE, s10  }
0x5: {  	s0 =	sand.u32 $0x1, s0;
	s5 =	smul.u32 $0x2800, s10;
	[smem:$0x7FF] =	sst s4  }
0x6: {  	s4 =	sadd.s32 $0xDC00, s3;
	s23 =	sshll.u32 s10, $0x6;
	s10 =	simm.s32 $0x2  }
0x7: {  	p0 =	seq.s32 s0, $0x0;
	s6 =	smul.u32 $0x28000, s0;
	_ =	strace $0x8000004A  }
0x8: {  	s0 =	ssub.s32 $0x2, s0;
	s1 =	sadd.s32 $0xE0, s1;
	s7 =	sshrl.u32 s5, $0x3  }
0x9: {  	s9 =	sshrl.u32 s0, $0x1;
	s20 =	sadd.s32 s5, s2;
	s10 =	simm.s32 @!p0 $0x6  }
0xa: {  	s16 =	smov.u32 @p0 s1;
	s6 =	sadd.s32 s5, s6;
	s7 =	sadd.s32 s7, s3  }
0xb: {  	s0 =	ssub.s32 s0, s9;
	s9 =	simm.s32 $0x2;
	s20 =	sshrl.u32 s20, $0x3  }
0xc: {  	s1 =	smin.u32 s16, $0x132;
	s6 =	sshrl.u32 s6, $0x3;
	s5 =	sadd.s32 $0x1CC00, s7  }
0xd: {  	s13 =	smax.u32 s0, $0x1;
	s24 =	sshll.u32 s16, $0xC;
	s26 =	sshll.u32 s16, $0xA  }
0xe: {  	s22 =	sshll.u32 s1, $0x7;
	s11 =	ssub.s32 s16, s1;
	s25 =	sshll.u32 s1, $0xC  }
0xf: {  	s1 =	sshll.u32 s1, $0xA;
	s8 =	sadd.s32 s22, s3;
	s3 =	sadd.s32 s6, s3  }
0x10: {  	s6 =	sor.u32 $0x1C05, s23;
	s11 =	sshll.u32 s11, $0xA;
	s0 =	ssub.s32 s24, s25  }
0x11: {  	s31 =	ssub.s32 s26, s1;
	s23 =	simm.s32 $0x400;
	s24 =	simm.s32 $0x7000  }
0x12: {  	s25 =	simm.s32 $0xB000;
	s26 =	simm.s32 $0x1;
	s7 =	sadd.s32 $0x12C00, s8  }
0x13: {  	s8 =	sadd.s32 $0x1000, s8;
	s12 =	sadd.s32 $0x21C00, s3;
	s0 =	sadd.s32 $0x2000, s0  }
0x14: {  	s14 =	sor.u32 $0x400, s11;
	s15 =	sadd.s32 $0x3800, s11;
	s17 =	sshra.s32 s0, $0x2  }
0x15: {  	s16 =	sadd.s32 $0x3C00, s11;
	s19 =	sadd.s32 $0x800, s31;
	s18 =	sadd.s32 $0x3800, s17  }
.LBB2_1:
0x16: {  	[spmem:s20], [sflag:s6] =	dma.local [hbm:s5], $0x500  }
0x17: {  	_ =	swait.ge [sflag:s21], $0x500  }
0x18: {  	[sflag:s21] =	ssyncset.done $0x0  }
0x19: {  	s0 =	simm.s32 $0x0;
	[sflag:s21] =	ssyncadd.s32 $0xFFFFFB00  }
0x1a: {  	[tilespmem:s0], [sflag:$0x5] =	stream.linear.gather [hbm4b:s7+s0], $0x3800, $0x38;
	[tilespmem:$0x11800] =	vst v63  }
0x1b: {  	_ =	swait.ge [sflag:s21], $0x3800  }
0x1c: {  	[sflag:s21] =	ssyncset.done $0x0  }
0x1d: {  	s1 =	simm.s32 $0x3800;
	[sflag:s21] =	ssyncadd.s32 $0xFFFFC800  }
0x1e: {  	[tilespmem:s1], [sflag:$0x5] =	stream.linear.gather [hbm4b:s8+s0], $0x3800, $0x38;
	[tilespmem:$0x11800] =	vst v63  }
0x1f: {  	_ =	swait.ge [sflag:s21], $0x3800  }
0x20: {  	[sflag:s21] =	ssyncset.done $0x0  }
0x21: {  	[sflag:s21] =	ssyncadd.s32 $0xFFFFC800  }
0x22: {  	[bflag:$0x0] =	sbarrier.arrive $0xFFFF  }
0x23: {  	[tilespmem:s24], [sflag:$0x1] =	stream.indirect.gather [hbm4b:s4+s23], $0x10, s11, s23, $0xb8;
	[tilespmem:$0x11800] =	vst v63  }
0x24: {  	_ = 	snop  }
0x25: {  	[tilespmem:s25], [sflag:$0x2] =	stream.indirect.gather [hbm4b:s4+s23], $0x10, s14, s23, $0xb8;
	[tilespmem:$0x11800] =	vst v63  }
0x26: {  	_ =	swait.ge [sflag:s26], $0x4000  }
0x27: {  	[sflag:s26] =	ssyncset.done $0x0  }
0x28: {  	[sflag:s26] =	ssyncadd.s32 $0xFFFFC000  }
0x29: {  	[spmem:s2] =	stream.indirect.scatter.add.f32 [tilespmem:s24], [sflag:$0x3], $0x10, s15, s23, $0xb8;
	[tilespmem:$0x11800] =	vst v63  }
0x2a: {  	_ =	swait.ge [sflag:s9], $0x4000  }
0x2b: {  	[sflag:s9] =	ssyncset.done $0x0  }
0x2c: {  	[sflag:s9] =	ssyncadd.s32 $0xFFFFC000  }
0x2d: {  	[spmem:s2] =	stream.indirect.scatter.add.f32 [tilespmem:s25], [sflag:$0x4], $0x10, s16, s23, $0xb8;
	[tilespmem:$0x11800] =	vst v63  }
0x2e: {  	_ =	swait.ge [sflag:s28], $0x4000  }
0x2f: {  	[sflag:s28] =	ssyncset.done $0x0  }
0x30: {  	[sflag:s28] =	ssyncadd.s32 $0xFFFFC000  }
0x31: {  	[tilespmem:s24], [sflag:$0x1] =	stream.indirect.gather [hbm4b:s4+s23], $0x10, s17, s23, $0xb8;
	[tilespmem:$0x11800] =	vst v63  }
0x32: {  	_ =	swait.ge [sflag:s29], $0x4000  }
0x33: {  	[sflag:s29] =	ssyncset.done $0x0  }
0x34: {  	s3 =	sor.u32 $0x400, s19;
	[sflag:s29] =	ssyncadd.s32 $0xFFFFC000  }
0x35: {  	[tilespmem:s25], [sflag:$0x2] =	stream.indirect.gather [hbm4b:s4+s23], $0x10, s3, s23, $0xb8;
	[tilespmem:$0x11800] =	vst v63  }
0x36: {  	_ =	swait.ge [sflag:s26], $0x4000  }
0x37: {  	p0 =	sne.s32 s10, $0x1;
	[sflag:s26] =	ssyncset.done $0x0  }
.Ltmp0:
0x38: {  	[sflag:s26] =	ssyncadd.s32 $0xFFFFC000;
	(pc) =	sbr.rel @!p0 .LBB2_3-.Ltmp0, $4  }
0x39: {  	[spmem:s2] =	stream.indirect.scatter.add.f32 [tilespmem:s24], [sflag:$0x3], $0x10, s18, s23, $0xb8;
	[tilespmem:$0x11800] =	vst v63  }
0x3a: {  	s31 =	sadd.s32 $0xFFFFFFFF, s10;
	_ =	swait.ge [sflag:s9], $0x4000  }
0x3b: {  	s22 =	sadd.s32 $0x800, s18;
	s1 =	sadd.s32 $0x800, s19;
	[sflag:s9] =	ssyncset.done $0x0  }
0x3c: {  	s0 =	sadd.s32 $0x800, s17;
	s3 =	sadd.s32 $0x3800, s3;
	[sflag:s9] =	ssyncadd.s32 $0xFFFFC000  }
.LBB2_2:
0x3d: {  	[spmem:s2] =	stream.indirect.scatter.add.f32 [tilespmem:s25], [sflag:$0x4], $0x10, s3, s23, $0xb8;
	[tilespmem:$0x11800] =	vst v63  }
0x3e: {  	p0 =	sne.s32 s31, $0x1;
	s31 =	sadd.s32 $0xFFFFFFFF, s31;
	_ =	swait.ge [sflag:s28], $0x4000  }
0x3f: {  	[sflag:s28] =	ssyncset.done $0x0  }
0x40: {  	[sflag:s28] =	ssyncadd.s32 $0xFFFFC000  }
0x41: {  	[tilespmem:s24], [sflag:$0x1] =	stream.indirect.gather [hbm4b:s4+s23], $0x10, s0, s23, $0xb8;
	[tilespmem:$0x11800] =	vst v63  }
0x42: {  	_ =	swait.ge [sflag:s29], $0x4000  }
0x43: {  	[sflag:s29] =	ssyncset.done $0x0  }
0x44: {  	s3 =	sor.u32 $0x400, s1;
	[sflag:s29] =	ssyncadd.s32 $0xFFFFC000  }
0x45: {  	[tilespmem:s25], [sflag:$0x2] =	stream.indirect.gather [hbm4b:s4+s23], $0x10, s3, s23, $0xb8;
	[tilespmem:$0x11800] =	vst v63  }
0x46: {  	_ =	swait.ge [sflag:s26], $0x4000  }
0x47: {  	[sflag:s26] =	ssyncset.done $0x0  }
.Ltmp1:
0x48: {  	[sflag:s26] =	ssyncadd.s32 $0xFFFFC000;
	(pc) =	sbr.rel @p0 .LBB2_2-.Ltmp1, $4  }
0x49: {  	[spmem:s2] =	stream.indirect.scatter.add.f32 [tilespmem:s24], [sflag:$0x3], $0x10, s22, s23, $0xb8;
	[tilespmem:$0x11800] =	vst v63  }
0x4a: {  	_ =	swait.ge [sflag:s9], $0x4000  }
0x4b: {  	s1 =	sadd.s32 $0x800, s1;
	s0 =	sadd.s32 $0x800, s0;
	[sflag:s9] =	ssyncset.done $0x0  }
0x4c: {  	s3 =	sadd.s32 $0x3800, s3;
	s22 =	sadd.s32 $0x800, s22;
	[sflag:s9] =	ssyncadd.s32 $0xFFFFC000  }
.LBB2_3:
0x4d: {  	[spmem:s2] =	stream.indirect.scatter.add.f32 [tilespmem:s25], [sflag:$0x4], $0x10, s3, s23, $0xb8;
	[tilespmem:$0x11800] =	vst v63  }
0x4e: {  	_ =	swait.ge [sflag:s28], $0x4000  }
0x4f: {  	[sflag:s28] =	ssyncset.done $0x0  }
0x50: {  	[sflag:s28] =	ssyncadd.s32 $0xFFFFC000  }
0x51: {  	_ =	swait.ge [sflag:s29], $0x4000  }
0x52: {  	s30 =	sadd.s32 $0x1, s30;
	[sflag:s29] =	ssyncset.done $0x0  }
0x53: {  	p0 =	sne.s32 s30, s13;
	[sflag:s29] =	ssyncadd.s32 $0xFFFFC000  }
.Ltmp2:
0x54: {  	[bflag:$0x0] =	sbarrier.arrive $0xFFFF;
	(pc) =	sbr.rel @p0 .LBB2_1-.Ltmp2, $4  }
0x55: {  	[hbm:s12], [sflag:s6] =	dma.local [spmem:s20], $0x500  }
0x56: {  	_ =	swait.ge [sflag:s21], $0x500  }
0x57: {  	[sflag:s21] =	ssyncset.done $0x0  }
0x58: {  	[sflag:s21] =	ssyncadd.s32 $0xFFFFFB00  }
0x59: {  	_ =	sfence.sel $0x180000  }
0x5a: {  	[bflag:$0x0] =	sbarrier.arrive $0xFFFF  }
0x5b: {  	_ =	strace $0x9000004A  }
0x5c: {  	s0 =	stileid.u32;
	[bflag:$0x2] =	sbarrier.arrive $0xFFFF  }
0x5d: {  	p0 =	sne.s32 s0, $0x0;
	s0 =	rddreg [dreg:$0x2]  }
0x5e: {  	s0 =	sadd.s32 @!p0 $0x100000, s0  }
0x5f: {  	[sflag:s0] =	ssyncadd.tile.s32 @!p0 $0x1;
	_ =	shalt  }
.Lfunc_end2:
_tile_overlayer_lowered:
.L_overlay_start_2:
0x60: {  	(tag) =	ssettag $0x2  }
0x61: {  	s0 =	rddreg [dreg:$0x0];
	s2 =	stileid.u32  }
0x62: {  	s1 =	rddreg [dreg:$0x1];
	p0 =	sne.s32 s2, $0x0  }
0x63: {  	s3 =	rddreg [dreg:$0x2];
	[bflag:$0x3] =	sbarrier.arrive $0xFFFF;
	s2 =	simm.s32 @!p0 $0x1C05  }
0x64: {  	[timem:s3], [sflag:s2] =	dma.local @!p0 [hbm:s0], s1  }
0x65: {  	s0 =	simm.s32 @!p0 $0x5  }
0x66: {  	_ =	swait.ge @!p0 [sflag:s0], s1  }
0x67: {  	s1 =	ssub.s32 @!p0 $0x0, s1;
	[sflag:s0] =	ssyncset.done @!p0 $0x0  }
0x68: {  	[sflag:s0] =	ssyncadd.s32 @!p0 s1  }
0x69: {  	[bflag:$0x3] =	sbarrier.arrive $0xFFFF  }
0x6a: {  	_ =	shalt  }

// kernel: kernel.14.cloned.1.call-start
scs
__scs_entry_jumppad:
0x0: {  	(pc) =	sbr.rel $0x88, $3  }
0x1: {  	(tag) =	ssettag $0x0;
	lr =	simm.s32 $0x1  }
0x2: {  	[smem:$0x3F9B] =	sst lr;
	_ =	strace $0xD0000000  }
0x3: {  	_ = 	snop  }
0x4: {  	_ = 	snop  }
0x5: {  	_ = 	snop  }
0x6: {  	_ = 	snop  }
0x7: {  	_ = 	snop  }
__scs_overlays_trampoline_lowered:
0x8: {  	[smem:$0x3FAA] =	sst s0  }
0x9: {  	[smem:$0x3FAB] =	sst s1  }
0xa: {  	[smem:$0x3FAC] =	sst s2  }
0xb: {  	[smem:$0x3FAD] =	sst s3  }
0xc: {  	[smem:$0x3FAE] =	sst s4  }
0xd: {  	[smem:$0x3FAF] =	sst s5  }
0xe: {  	[smem:$0x3FB0] =	sst s6  }
0xf: {  	[smem:$0x3FB1] =	sst s7  }
0x10: {  	[smem:$0x3FB2] =	sst s8  }
0x11: {  	[smem:$0x3FB3] =	sst s9;
	s0 =	simm.s32 @!p0 $0x0  }
0x12: {  	s1 =	sld [smem:$0x3F99];
	s0 =	simm.s32 @p0 $0x1  }
0x13: {  	[smem:$0x3FB4] =	sst s0;
	s0 =	simm.s32 @!p1 $0x0  }
0x14: {  	s2 =	sld [smem:$0x3F98];
	s0 =	simm.s32 @p1 $0x1  }
0x15: {  	[smem:$0x3FB5] =	sst s0;
	s0 =	simm.s32 @!p2 $0x0  }
0x16: {  	s3 =	sld [smem:$0x3FDB];
	s0 =	simm.s32 @p2 $0x1  }
0x17: {  	s4 =	simm.s32 $0x1BF5;
	[smem:$0x3FB7] =	sst s0  }
0x18: {  	s0 =	sld [smem:$0x3F9A];
	_ =	swait.ge [sflag:s4], $0x0  }
0x19: {  	s7 =	sld [smem:$0x3F9B]  }
0x1a: {  	s8 =	sadd.s32 $0xFFFFE003, lr  }
0x1b: {  	s9 =	sadd.s32 $0xFFFFFEF7, lr;
	s5 =	simm.s32 $0xFFFFFFFF;
	p2 =	slt.u32 s8, $0xFFFFF086  }
0x1c: {  	p1 =	slt.u32 s9, $0xF7A;
	s5 =	simm.s32 @!p2 $0x0  }
0x1d: {  	s5 =	simm.s32 @p1 $0x1;
	p0 =	seq.s32 s7, s2  }
0x1e: {  	s7 =	smul.u32 @!p0 $0xF7A, s2;
	p2 =	seq.s32 @!p0 s5, $0x0  }
0x1f: {  	s9 =	smul.u32 $0xF7A, s1;
	s8 =	simm.s32 @!p0 $0x1BF5;
	p2 =	por !p2, p0  }
0x20: {  	[sflag:s8] =	ssyncset.s32 @!p0 $0xFFFFF086;
	s6 =	sadd.s32 @!p0 s3, s7;
	s7 =	simm.s32 @!p0 $0x108  }
0x21: {  	s3 =	sadd.s32 s3, s9;
	s6 =	sadd.s32 @!p0 $0x88, s6;
	s7 =	simm.s32 @p2 $0x1082  }
0x22: {  	[simem:s7], [sflag:s8] =	dma.local @!p0 [hbm:s6], $0xF7A  }
0x23: {  	s9 =	sor.u32 $0xD0000000, s2;
	s6 =	simm.s32 $0x108;
	_ =	swait.ge @!p0 [sflag:s8], $0x0  }
0x24: {  	s3 =	sadd.s32 $0x88, s3;
	s6 =	simm.s32 @!p1 $0x1082;
	[sflag:s4] =	ssyncset.s32 $0xFFFFF086  }
0x25: {  	[simem:s6], [sflag:s4] =	dma.local [hbm:s3], $0xF7A  }
0x26: {  	[smem:$0x3F9B] =	sst s1;
	(tag) =	ssettag s2;
	_ =	strace s9  }
0x27: {  	s1 =	sld [smem:$0x3FAB]  }
0x28: {  	s2 =	sld [smem:$0x3FAC]  }
0x29: {  	s4 =	sld [smem:$0x3FAE]  }
0x2a: {  	p0 =	seq.s32 s5, $0x0;
	s5 =	sld [smem:$0x3FAF]  }
0x2b: {  	s6 =	sld [smem:$0x3FB0]  }
0x2c: {  	s7 =	sld [smem:$0x3FB1]  }
0x2d: {  	s3 =	simm.s32 $0x108;
	s8 =	sld [smem:$0x3FB2]  }
0x2e: {  	s3 =	simm.s32 @!p0 $0x1082;
	s9 =	sld [smem:$0x3FB3]  }
0x2f: {  	lr =	sadd.s32 s0, s3;
	s0 =	sld [smem:$0x3FAA]  }
0x30: {  	s3 =	sld [smem:$0x3FAD]  }
0x31: {  	[smem:$0x3FB6] =	sst s10  }
0x32: {  	s10 =	sld [smem:$0x3FB4];
	_ =	sdelay $0x3  }
0x33: {  	p0 =	seq.s32 s10, $0x1;
	s10 =	sld [smem:$0x3FB6];
	_ =	sdelay $0x3  }
0x34: {  	[smem:$0x3FB6] =	sst s10  }
0x35: {  	s10 =	sld [smem:$0x3FB5];
	_ =	sdelay $0x3  }
0x36: {  	p1 =	seq.s32 s10, $0x1;
	s10 =	sld [smem:$0x3FB6];
	_ =	sdelay $0x3  }
0x37: {  	[smem:$0x3FB6] =	sst s10  }
0x38: {  	s10 =	sld [smem:$0x3FB7]  }
0x39: {  	_ = 	snop;
	(pc) =	sbr.ind lr, $3  }
0x3a: {  	_ = 	snop  }
0x3b: {  	_ = 	snop  }
0x3c: {  	p2 =	seq.s32 s10, $0x1;
	s10 =	sld [smem:$0x3FB6]  }
0x3d: {  	_ =	shalt  }
0x3e: {  	_ =	shalt  }
0x3f: {  	_ =	shalt  }
0x40: {  	_ =	shalt  }
0x41: {  	_ =	shalt  }
0x42: {  	_ =	shalt  }
0x43: {  	_ =	shalt  }
0x44: {  	_ =	shalt  }
0x45: {  	_ =	shalt  }
0x46: {  	_ =	shalt  }
0x47: {  	_ =	shalt  }
0x48: {  	_ =	shalt  }
0x49: {  	_ =	shalt  }
0x4a: {  	_ =	shalt  }
0x4b: {  	_ =	shalt  }
0x4c: {  	_ =	shalt  }
0x4d: {  	_ =	shalt  }
0x4e: {  	_ =	shalt  }
0x4f: {  	_ =	shalt  }
0x50: {  	_ =	shalt  }
0x51: {  	_ =	shalt  }
0x52: {  	_ =	shalt  }
0x53: {  	_ =	shalt  }
0x54: {  	_ =	shalt  }
0x55: {  	_ =	shalt  }
0x56: {  	_ =	shalt  }
0x57: {  	_ =	shalt  }
0x58: {  	_ =	shalt  }
0x59: {  	_ =	shalt  }
0x5a: {  	_ =	shalt  }
0x5b: {  	_ =	shalt  }
0x5c: {  	_ =	shalt  }
0x5d: {  	_ =	shalt  }
0x5e: {  	_ =	shalt  }
0x5f: {  	_ =	shalt  }
0x60: {  	_ =	shalt  }
0x61: {  	_ =	shalt  }
0x62: {  	_ =	shalt  }
0x63: {  	_ =	shalt  }
0x64: {  	_ =	shalt  }
0x65: {  	_ =	shalt  }
0x66: {  	_ =	shalt  }
0x67: {  	_ =	shalt  }
0x68: {  	_ =	shalt  }
0x69: {  	_ =	shalt  }
0x6a: {  	_ =	shalt  }
0x6b: {  	_ =	shalt  }
0x6c: {  	_ =	shalt  }
0x6d: {  	_ =	shalt  }
0x6e: {  	_ =	shalt  }
0x6f: {  	_ =	shalt  }
0x70: {  	_ =	shalt  }
0x71: {  	_ =	shalt  }
0x72: {  	_ =	shalt  }
0x73: {  	_ =	shalt  }
0x74: {  	_ =	shalt  }
0x75: {  	_ =	shalt  }
0x76: {  	_ =	shalt  }
0x77: {  	_ =	shalt  }
0x78: {  	_ =	shalt  }
0x79: {  	_ =	shalt  }
0x7a: {  	_ =	shalt  }
0x7b: {  	_ =	shalt  }
0x7c: {  	_ =	shalt  }
0x7d: {  	_ =	shalt  }
0x7e: {  	_ =	shalt  }
0x7f: {  	_ =	shalt  }
0x80: {  	_ =	shalt  }
0x81: {  	_ =	shalt  }
0x82: {  	_ =	shalt  }
0x83: {  	_ =	shalt  }
0x84: {  	_ =	shalt  }
0x85: {  	_ =	shalt  }
0x86: {  	_ =	shalt  }
0x87: {  	_ =	shalt  }
.Lfunc_end0:
.L_simem_size_0:
called_computation.2_lowered:
.L_overlay_start_0:
0x88: {  	s2 =	sld [smem:$0x3FD9]  }
0x89: {  	s3 =	sld [smem:$0x3FFE];
	_ =	sdelay $0x1  }
0x8a: {  	s1 =	srdreg.scid  }
0x8b: {  	s0 =	sand.u32 $0x1, s1  }
0x8c: {  	s16 =	sshll.u32 s0, $0xA;
	s2 =	sadd.s32 s3, s2  }
0x8d: {  	s2 =	sadd.s32 s2, s16  }
0x8e: {  	[smem:$0x3FC2] =	sst s2  }
0x8f: {  	_ = 	snop  }
0x90: {  	(tm) =	ssettm $0x1  }
0x91: {  	s17 =	sld [smem:$0x3FFB];
	_ =	sdelay $0x3  }
0x92: {  	_ =	strace s17  }
0x93: {  	s2 =	sld [smem:$0x3FFC];
	_ =	sdelay $0x3  }
0x94: {  	_ =	strace s2  }
0x95: {  	s2 =	sld [smem:$0x3FFD];
	_ =	sdelay $0x3  }
0x96: {  	_ =	strace s2  }
0x97: {  	_ =	strace $0x8FFFFFFF  }
0x98: {  	s18 =	sld [smem:$0x3FDB];
	_ =	sdelay $0x1  }
0x99: {  	s19 =	simm.s32 $_scs_section_size  }
0x9a: {  	s4 =	simm.s32 $_size__tile_overlayer_lowered;
	s5 =	simm.s32 $_tile_overlayer_lowered  }
0x9b: {  	s22 =	simm.s32 $0x1BFF;
	s21 =	sshll.u32 s5, $0x1;
	s2 =	sadd.s32 s19, s18  }
0x9c: {  	s6 =	simm.s32 $0x0;
	s20 =	sshll.u32 s4, $0x1;
	s4 =	sadd.s32 s21, s2  }
0x9d: {  	[timem:s6], [sflag:s22] =	dma.local [hbm:s4], s20  }
0x9e: {  	_ =	swait.ge [sflag:s22], s20  }
0x9f: {  	s3 =	ssub.s32 $0x0, s20;
	[sflag:s22] =	ssyncset.done $0x0  }
0xa0: {  	[sflag:s22] =	ssyncadd.s32 s3;
	_ =	sdelay $0x1  }
0xa1: {  	s23 =	simm.s32 $0x1B8B  }
0xa2: {  	_ =	swait.ge [sflag:s23], $0x1  }
0xa3: {  	[sflag:s23] =	ssyncset.done $0x0  }
0xa4: {  	s25 =	simm.s32 $0x1B8E;
	s24 =	sld [smem:$0x3FFE];
	[sflag:s23] =	ssyncadd.s32 $0xFFFFFFFF  }
0xa5: {  	s26 =	simm.s32 $execute0_lowered;
	[smem:$0x3FD2] =	sst s25  }
0xa6: {  	s4 =	sshll.u32 s26, $0x1;
	_ =	strace $0x8000004C;
	[dreg:$0x1] =	wrdreg $0xFFFFFFFF  }
0xa7: {  	s28 =	simm.s32 $_size_execute0_lowered;
	s2 =	sadd.s32 s2, s4;
	[dreg:$0x0] =	wrdreg $0x0  }
0xa8: {  	s4 =	sshll.u32 s28, $0x1;
	[dreg:$0x2] =	wrdreg s2  }
0xa9: {  	[dreg:$0x3] =	wrdreg s4  }
0xaa: {  	[dreg:$0x4] =	wrdreg $0xC0  }
0xab: {  	_ =	task [dreg:s6], $0x5FFFF  }
0xac: {  	[dreg:$0x1] =	wrdreg $0xFFFFFFFF  }
0xad: {  	[dreg:$0x0] =	wrdreg $0x60  }
0xae: {  	[dreg:$0x2] =	wrdreg s24  }
0xaf: {  	[dreg:$0x3] =	wrdreg $0xB0000  }
0xb0: {  	[dreg:$0x4] =	wrdreg $0x9  }
0xb1: {  	_ =	task.clear_ibuf [dreg:s6], $0x5FFFF;
	_ =	strace $0x9000004C  }
0xb2: {  	s29 =	simm.s32 $0x9;
	_ =	strace $0x8000004E  }
0xb3: {  	_ =	swait.ge [sflag:s29], $0x1  }
0xb4: {  	[sflag:s29] =	ssyncadd.s32 $0xFFFFFFFF  }
0xb5: {  	_ =	strace $0x9000004E  }
0xb6: {  	_ =	sfence  }
0xb7: {  	s30 =	sld [smem:$0x0];
	_ =	sdelay $0x2  }
0xb8: {  	s31 =	sshll.u32 s1, $0xD;
	s1 =	sshrl.u32 s1, $0x2  }
0xb9: {  	s3 =	sand.u32 $0x4000, s31;
	s1 =	sadd.s32 s1, s30  }
0xba: {  	s0 =	sor.u32 s3, s0;
	s1 =	sshll.u32 s1, $0x11  }
0xbb: {  	s0 =	sor.u32 s1, s0  }
0xbc: {  	s0 =	sadd.s32 $0x8F2B, s0  }
0xbd: {  	[sflag:s0] =	ssyncadd.remote.s32 $0x1  }
0xbe: {  	_ =	sfence.sel $0xFFFF  }
0xbf: {  	[dreg:$0x0] =	wrdreg $0xFFFFFFFF;
	(pc) =	sbr.abs _section_cstart, $3  }
0xc0: {  	[dreg:$0x1] =	wrdreg $0xFFFFFFFF  }
0xc1: {  	_ =	task.clear_ibuf [dreg:s6], $0x2FFFF;
	_ =	strace $0x9FFFFFFF  }
0xc2: {  	(tm) =	ssettm $0x7FFFFFFF  }
0xc3: {  	_ =	shalt  }
tec
execute0_lowered:
.L_overlay_start_1:
0x0: {  	(tag) =	ssettag $0x1  }
0x1: {  	s10 =	stileid.u32;
	s3 =	rddreg [dreg:$0x0]  }
0x2: {  	s0 =	srdreg.scid;
	s2 =	rddreg [dreg:$0x1];
	s4 =	simm.s32 $0x0  }
0x3: {  	s21 =	simm.s32 $0x5;
	s28 =	simm.s32 $0x3;
	s1 =	smul.u32 $0x6, s10  }
0x4: {  	s29 =	simm.s32 $0x4;
	s30 =	simm.s32 $0x0;
	s16 =	smul.u32 $0xE, s10  }
0x5: {  	s0 =	sand.u32 $0x1, s0;
	s5 =	smul.u32 $0x1400, s10;
	[smem:$0x7FF] =	sst s4  }
0x6: {  	s4 =	sadd.s32 $0xDC00, s3;
	s23 =	sshll.u32 s10, $0x6;
	s10 =	simm.s32 $0x2  }
0x7: {  	p0 =	seq.s32 s0, $0x0;
	s6 =	smul.u32 $0x14000, s0;
	_ =	strace $0x8000004D  }
0x8: {  	s0 =	ssub.s32 $0x2, s0;
	s1 =	sadd.s32 $0xE0, s1;
	s7 =	sshrl.u32 s5, $0x3  }
0x9: {  	s9 =	sshrl.u32 s0, $0x1;
	s20 =	sadd.s32 s5, s2;
	s10 =	simm.s32 @!p0 $0x6  }
0xa: {  	s16 =	smov.u32 @p0 s1;
	s6 =	sadd.s32 s5, s6;
	s7 =	sadd.s32 s7, s3  }
0xb: {  	s0 =	ssub.s32 s0, s9;
	s9 =	simm.s32 $0x2;
	s20 =	sshrl.u32 s20, $0x3  }
0xc: {  	s1 =	smin.u32 s16, $0x132;
	s6 =	sshrl.u32 s6, $0x3;
	s5 =	sadd.s32 $0xB400, s7  }
0xd: {  	s13 =	smax.u32 s0, $0x1;
	s24 =	sshll.u32 s16, $0xC;
	s26 =	sshll.u32 s16, $0xA  }
0xe: {  	s22 =	sshll.u32 s1, $0x7;
	s11 =	ssub.s32 s16, s1;
	s25 =	sshll.u32 s1, $0xC  }
0xf: {  	s1 =	sshll.u32 s1, $0xA;
	s8 =	sadd.s32 s22, s3;
	s3 =	sadd.s32 s6, s3  }
0x10: {  	s6 =	sor.u32 $0x1C05, s23;
	s11 =	sshll.u32 s11, $0xA;
	s0 =	ssub.s32 s24, s25  }
0x11: {  	s31 =	ssub.s32 s26, s1;
	s23 =	simm.s32 $0x400;
	s24 =	simm.s32 $0x7000  }
0x12: {  	s25 =	simm.s32 $0x9000;
	s26 =	simm.s32 $0x1;
	s7 =	sadd.s32 $0x12C00, s8  }
0x13: {  	s8 =	sadd.s32 $0x1000, s8;
	s12 =	sadd.s32 $0x1CC00, s3;
	s0 =	sadd.s32 $0x2000, s0  }
0x14: {  	s14 =	sor.u32 $0x400, s11;
	s15 =	sadd.s32 $0x3800, s11;
	s17 =	sshra.s32 s0, $0x2  }
0x15: {  	s16 =	sadd.s32 $0x3C00, s11;
	s19 =	sadd.s32 $0x800, s31;
	s18 =	sadd.s32 $0x3800, s17  }
.LBB2_1:
0x16: {  	[spmem:s20], [sflag:s6] =	dma.local [hbm:s5], $0x280  }
0x17: {  	_ =	swait.ge [sflag:s21], $0x280  }
0x18: {  	[sflag:s21] =	ssyncset.done $0x0  }
0x19: {  	s0 =	simm.s32 $0x0;
	[sflag:s21] =	ssyncadd.s32 $0xFFFFFD80  }
0x1a: {  	[tilespmem:s0], [sflag:$0x5] =	stream.linear.gather [hbm4b:s7+s0], $0x3800, $0x38;
	[tilespmem:$0xC400] =	vst v63  }
0x1b: {  	_ =	swait.ge [sflag:s21], $0x3800  }
0x1c: {  	[sflag:s21] =	ssyncset.done $0x0  }
0x1d: {  	s1 =	simm.s32 $0x3800;
	[sflag:s21] =	ssyncadd.s32 $0xFFFFC800  }
0x1e: {  	[tilespmem:s1], [sflag:$0x5] =	stream.linear.gather [hbm4b:s8+s0], $0x3800, $0x38;
	[tilespmem:$0xC400] =	vst v63  }
0x1f: {  	_ =	swait.ge [sflag:s21], $0x3800  }
0x20: {  	[sflag:s21] =	ssyncset.done $0x0  }
0x21: {  	[sflag:s21] =	ssyncadd.s32 $0xFFFFC800  }
0x22: {  	[bflag:$0x0] =	sbarrier.arrive $0xFFFF  }
0x23: {  	[tilespmem:s24], [sflag:$0x1] =	stream.indirect.gather [hbm4b:s4+s23], $0x8, s11, s23, $0xb8;
	[tilespmem:$0xC400] =	vst v63  }
0x24: {  	_ = 	snop  }
0x25: {  	[tilespmem:s25], [sflag:$0x2] =	stream.indirect.gather [hbm4b:s4+s23], $0x8, s14, s23, $0xb8;
	[tilespmem:$0xC400] =	vst v63  }
0x26: {  	_ =	swait.ge [sflag:s26], $0x2000  }
0x27: {  	[sflag:s26] =	ssyncset.done $0x0  }
0x28: {  	[sflag:s26] =	ssyncadd.s32 $0xFFFFE000  }
0x29: {  	[spmem:s2] =	stream.indirect.scatter.add.f32 [tilespmem:s24], [sflag:$0x3], $0x8, s15, s23, $0xb8;
	[tilespmem:$0xC400] =	vst v63  }
0x2a: {  	_ =	swait.ge [sflag:s9], $0x2000  }
0x2b: {  	[sflag:s9] =	ssyncset.done $0x0  }
0x2c: {  	[sflag:s9] =	ssyncadd.s32 $0xFFFFE000  }
0x2d: {  	[spmem:s2] =	stream.indirect.scatter.add.f32 [tilespmem:s25], [sflag:$0x4], $0x8, s16, s23, $0xb8;
	[tilespmem:$0xC400] =	vst v63  }
0x2e: {  	_ =	swait.ge [sflag:s28], $0x2000  }
0x2f: {  	[sflag:s28] =	ssyncset.done $0x0  }
0x30: {  	[sflag:s28] =	ssyncadd.s32 $0xFFFFE000  }
0x31: {  	[tilespmem:s24], [sflag:$0x1] =	stream.indirect.gather [hbm4b:s4+s23], $0x8, s17, s23, $0xb8;
	[tilespmem:$0xC400] =	vst v63  }
0x32: {  	_ =	swait.ge [sflag:s29], $0x2000  }
0x33: {  	[sflag:s29] =	ssyncset.done $0x0  }
0x34: {  	s3 =	sor.u32 $0x400, s19;
	[sflag:s29] =	ssyncadd.s32 $0xFFFFE000  }
0x35: {  	[tilespmem:s25], [sflag:$0x2] =	stream.indirect.gather [hbm4b:s4+s23], $0x8, s3, s23, $0xb8;
	[tilespmem:$0xC400] =	vst v63  }
0x36: {  	_ =	swait.ge [sflag:s26], $0x2000  }
0x37: {  	p0 =	sne.s32 s10, $0x1;
	[sflag:s26] =	ssyncset.done $0x0  }
.Ltmp0:
0x38: {  	[sflag:s26] =	ssyncadd.s32 $0xFFFFE000;
	(pc) =	sbr.rel @!p0 .LBB2_3-.Ltmp0, $4  }
0x39: {  	[spmem:s2] =	stream.indirect.scatter.add.f32 [tilespmem:s24], [sflag:$0x3], $0x8, s18, s23, $0xb8;
	[tilespmem:$0xC400] =	vst v63  }
0x3a: {  	s31 =	sadd.s32 $0xFFFFFFFF, s10;
	_ =	swait.ge [sflag:s9], $0x2000  }
0x3b: {  	s22 =	sadd.s32 $0x800, s18;
	s1 =	sadd.s32 $0x800, s19;
	[sflag:s9] =	ssyncset.done $0x0  }
0x3c: {  	s0 =	sadd.s32 $0x800, s17;
	s3 =	sadd.s32 $0x3800, s3;
	[sflag:s9] =	ssyncadd.s32 $0xFFFFE000  }
.LBB2_2:
0x3d: {  	[spmem:s2] =	stream.indirect.scatter.add.f32 [tilespmem:s25], [sflag:$0x4], $0x8, s3, s23, $0xb8;
	[tilespmem:$0xC400] =	vst v63  }
0x3e: {  	p0 =	sne.s32 s31, $0x1;
	s31 =	sadd.s32 $0xFFFFFFFF, s31;
	_ =	swait.ge [sflag:s28], $0x2000  }
0x3f: {  	[sflag:s28] =	ssyncset.done $0x0  }
0x40: {  	[sflag:s28] =	ssyncadd.s32 $0xFFFFE000  }
0x41: {  	[tilespmem:s24], [sflag:$0x1] =	stream.indirect.gather [hbm4b:s4+s23], $0x8, s0, s23, $0xb8;
	[tilespmem:$0xC400] =	vst v63  }
0x42: {  	_ =	swait.ge [sflag:s29], $0x2000  }
0x43: {  	[sflag:s29] =	ssyncset.done $0x0  }
0x44: {  	s3 =	sor.u32 $0x400, s1;
	[sflag:s29] =	ssyncadd.s32 $0xFFFFE000  }
0x45: {  	[tilespmem:s25], [sflag:$0x2] =	stream.indirect.gather [hbm4b:s4+s23], $0x8, s3, s23, $0xb8;
	[tilespmem:$0xC400] =	vst v63  }
0x46: {  	_ =	swait.ge [sflag:s26], $0x2000  }
0x47: {  	[sflag:s26] =	ssyncset.done $0x0  }
.Ltmp1:
0x48: {  	[sflag:s26] =	ssyncadd.s32 $0xFFFFE000;
	(pc) =	sbr.rel @p0 .LBB2_2-.Ltmp1, $4  }
0x49: {  	[spmem:s2] =	stream.indirect.scatter.add.f32 [tilespmem:s24], [sflag:$0x3], $0x8, s22, s23, $0xb8;
	[tilespmem:$0xC400] =	vst v63  }
0x4a: {  	_ =	swait.ge [sflag:s9], $0x2000  }
0x4b: {  	s1 =	sadd.s32 $0x800, s1;
	s0 =	sadd.s32 $0x800, s0;
	[sflag:s9] =	ssyncset.done $0x0  }
0x4c: {  	s3 =	sadd.s32 $0x3800, s3;
	s22 =	sadd.s32 $0x800, s22;
	[sflag:s9] =	ssyncadd.s32 $0xFFFFE000  }
.LBB2_3:
0x4d: {  	[spmem:s2] =	stream.indirect.scatter.add.f32 [tilespmem:s25], [sflag:$0x4], $0x8, s3, s23, $0xb8;
	[tilespmem:$0xC400] =	vst v63  }
0x4e: {  	_ =	swait.ge [sflag:s28], $0x2000  }
0x4f: {  	[sflag:s28] =	ssyncset.done $0x0  }
0x50: {  	[sflag:s28] =	ssyncadd.s32 $0xFFFFE000  }
0x51: {  	_ =	swait.ge [sflag:s29], $0x2000  }
0x52: {  	s30 =	sadd.s32 $0x1, s30;
	[sflag:s29] =	ssyncset.done $0x0  }
0x53: {  	p0 =	sne.s32 s30, s13;
	[sflag:s29] =	ssyncadd.s32 $0xFFFFE000  }
.Ltmp2:
0x54: {  	[bflag:$0x0] =	sbarrier.arrive $0xFFFF;
	(pc) =	sbr.rel @p0 .LBB2_1-.Ltmp2, $4  }
0x55: {  	[hbm:s12], [sflag:s6] =	dma.local [spmem:s20], $0x280  }
0x56: {  	_ =	swait.ge [sflag:s21], $0x280  }
0x57: {  	[sflag:s21] =	ssyncset.done $0x0  }
0x58: {  	[sflag:s21] =	ssyncadd.s32 $0xFFFFFD80  }
0x59: {  	_ =	sfence.sel $0x180000  }
0x5a: {  	[bflag:$0x0] =	sbarrier.arrive $0xFFFF  }
0x5b: {  	_ =	strace $0x9000004D  }
0x5c: {  	s0 =	stileid.u32;
	[bflag:$0x2] =	sbarrier.arrive $0xFFFF  }
0x5d: {  	p0 =	sne.s32 s0, $0x0;
	s0 =	rddreg [dreg:$0x2]  }
0x5e: {  	s0 =	sadd.s32 @!p0 $0x100000, s0  }
0x5f: {  	[sflag:s0] =	ssyncadd.tile.s32 @!p0 $0x1;
	_ =	shalt  }
.Lfunc_end2:
_tile_overlayer_lowered:
.L_overlay_start_2:
0x60: {  	(tag) =	ssettag $0x2  }
0x61: {  	s0 =	rddreg [dreg:$0x0];
	s2 =	stileid.u32  }
0x62: {  	s1 =	rddreg [dreg:$0x1];
	p0 =	sne.s32 s2, $0x0  }
0x63: {  	s3 =	rddreg [dreg:$0x2];
	[bflag:$0x3] =	sbarrier.arrive $0xFFFF;
	s2 =	simm.s32 @!p0 $0x1C05  }
0x64: {  	[timem:s3], [sflag:s2] =	dma.local @!p0 [hbm:s0], s1  }
0x65: {  	s0 =	simm.s32 @!p0 $0x5  }
0x66: {  	_ =	swait.ge @!p0 [sflag:s0], s1  }
0x67: {  	s1 =	ssub.s32 @!p0 $0x0, s1;
	[sflag:s0] =	ssyncset.done @!p0 $0x0  }
0x68: {  	[sflag:s0] =	ssyncadd.s32 @!p0 s1  }
0x69: {  	[bflag:$0x3] =	sbarrier.arrive $0xFFFF  }
0x6a: {  	_ =	shalt  }

// kernel: kernel.8.cloned.1.call-start
scs
__scs_entry_jumppad:
0x0: {  	(pc) =	sbr.rel $0x88, $3  }
0x1: {  	(tag) =	ssettag $0x0;
	lr =	simm.s32 $0x1  }
0x2: {  	[smem:$0x3F9B] =	sst lr;
	_ =	strace $0xD0000000  }
0x3: {  	_ = 	snop  }
0x4: {  	_ = 	snop  }
0x5: {  	_ = 	snop  }
0x6: {  	_ = 	snop  }
0x7: {  	_ = 	snop  }
__scs_overlays_trampoline_lowered:
0x8: {  	[smem:$0x3FAA] =	sst s0  }
0x9: {  	[smem:$0x3FAB] =	sst s1  }
0xa: {  	[smem:$0x3FAC] =	sst s2  }
0xb: {  	[smem:$0x3FAD] =	sst s3  }
0xc: {  	[smem:$0x3FAE] =	sst s4  }
0xd: {  	[smem:$0x3FAF] =	sst s5  }
0xe: {  	[smem:$0x3FB0] =	sst s6  }
0xf: {  	[smem:$0x3FB1] =	sst s7  }
0x10: {  	[smem:$0x3FB2] =	sst s8  }
0x11: {  	[smem:$0x3FB3] =	sst s9;
	s0 =	simm.s32 @!p0 $0x0  }
0x12: {  	s1 =	sld [smem:$0x3F99];
	s0 =	simm.s32 @p0 $0x1  }
0x13: {  	[smem:$0x3FB4] =	sst s0;
	s0 =	simm.s32 @!p1 $0x0  }
0x14: {  	s2 =	sld [smem:$0x3F98];
	s0 =	simm.s32 @p1 $0x1  }
0x15: {  	[smem:$0x3FB5] =	sst s0;
	s0 =	simm.s32 @!p2 $0x0  }
0x16: {  	s3 =	sld [smem:$0x3FDB];
	s0 =	simm.s32 @p2 $0x1  }
0x17: {  	s4 =	simm.s32 $0x1BF5;
	[smem:$0x3FB7] =	sst s0  }
0x18: {  	s0 =	sld [smem:$0x3F9A];
	_ =	swait.ge [sflag:s4], $0x0  }
0x19: {  	s7 =	sld [smem:$0x3F9B]  }
0x1a: {  	s8 =	sadd.s32 $0xFFFFE003, lr  }
0x1b: {  	s9 =	sadd.s32 $0xFFFFFEF7, lr;
	s5 =	simm.s32 $0xFFFFFFFF;
	p2 =	slt.u32 s8, $0xFFFFF086  }
0x1c: {  	p1 =	slt.u32 s9, $0xF7A;
	s5 =	simm.s32 @!p2 $0x0  }
0x1d: {  	s5 =	simm.s32 @p1 $0x1;
	p0 =	seq.s32 s7, s2  }
0x1e: {  	s7 =	smul.u32 @!p0 $0xF7A, s2;
	p2 =	seq.s32 @!p0 s5, $0x0  }
0x1f: {  	s9 =	smul.u32 $0xF7A, s1;
	s8 =	simm.s32 @!p0 $0x1BF5;
	p2 =	por !p2, p0  }
0x20: {  	[sflag:s8] =	ssyncset.s32 @!p0 $0xFFFFF086;
	s6 =	sadd.s32 @!p0 s3, s7;
	s7 =	simm.s32 @!p0 $0x108  }
0x21: {  	s3 =	sadd.s32 s3, s9;
	s6 =	sadd.s32 @!p0 $0x88, s6;
	s7 =	simm.s32 @p2 $0x1082  }
0x22: {  	[simem:s7], [sflag:s8] =	dma.local @!p0 [hbm:s6], $0xF7A  }
0x23: {  	s9 =	sor.u32 $0xD0000000, s2;
	s6 =	simm.s32 $0x108;
	_ =	swait.ge @!p0 [sflag:s8], $0x0  }
0x24: {  	s3 =	sadd.s32 $0x88, s3;
	s6 =	simm.s32 @!p1 $0x1082;
	[sflag:s4] =	ssyncset.s32 $0xFFFFF086  }
0x25: {  	[simem:s6], [sflag:s4] =	dma.local [hbm:s3], $0xF7A  }
0x26: {  	[smem:$0x3F9B] =	sst s1;
	(tag) =	ssettag s2;
	_ =	strace s9  }
0x27: {  	s1 =	sld [smem:$0x3FAB]  }
0x28: {  	s2 =	sld [smem:$0x3FAC]  }
0x29: {  	s4 =	sld [smem:$0x3FAE]  }
0x2a: {  	p0 =	seq.s32 s5, $0x0;
	s5 =	sld [smem:$0x3FAF]  }
0x2b: {  	s6 =	sld [smem:$0x3FB0]  }
0x2c: {  	s7 =	sld [smem:$0x3FB1]  }
0x2d: {  	s3 =	simm.s32 $0x108;
	s8 =	sld [smem:$0x3FB2]  }
0x2e: {  	s3 =	simm.s32 @!p0 $0x1082;
	s9 =	sld [smem:$0x3FB3]  }
0x2f: {  	lr =	sadd.s32 s0, s3;
	s0 =	sld [smem:$0x3FAA]  }
0x30: {  	s3 =	sld [smem:$0x3FAD]  }
0x31: {  	[smem:$0x3FB6] =	sst s10  }
0x32: {  	s10 =	sld [smem:$0x3FB4];
	_ =	sdelay $0x3  }
0x33: {  	p0 =	seq.s32 s10, $0x1;
	s10 =	sld [smem:$0x3FB6];
	_ =	sdelay $0x3  }
0x34: {  	[smem:$0x3FB6] =	sst s10  }
0x35: {  	s10 =	sld [smem:$0x3FB5];
	_ =	sdelay $0x3  }
0x36: {  	p1 =	seq.s32 s10, $0x1;
	s10 =	sld [smem:$0x3FB6];
	_ =	sdelay $0x3  }
0x37: {  	[smem:$0x3FB6] =	sst s10  }
0x38: {  	s10 =	sld [smem:$0x3FB7]  }
0x39: {  	_ = 	snop;
	(pc) =	sbr.ind lr, $3  }
0x3a: {  	_ = 	snop  }
0x3b: {  	_ = 	snop  }
0x3c: {  	p2 =	seq.s32 s10, $0x1;
	s10 =	sld [smem:$0x3FB6]  }
0x3d: {  	_ =	shalt  }
0x3e: {  	_ =	shalt  }
0x3f: {  	_ =	shalt  }
0x40: {  	_ =	shalt  }
0x41: {  	_ =	shalt  }
0x42: {  	_ =	shalt  }
0x43: {  	_ =	shalt  }
0x44: {  	_ =	shalt  }
0x45: {  	_ =	shalt  }
0x46: {  	_ =	shalt  }
0x47: {  	_ =	shalt  }
0x48: {  	_ =	shalt  }
0x49: {  	_ =	shalt  }
0x4a: {  	_ =	shalt  }
0x4b: {  	_ =	shalt  }
0x4c: {  	_ =	shalt  }
0x4d: {  	_ =	shalt  }
0x4e: {  	_ =	shalt  }
0x4f: {  	_ =	shalt  }
0x50: {  	_ =	shalt  }
0x51: {  	_ =	shalt  }
0x52: {  	_ =	shalt  }
0x53: {  	_ =	shalt  }
0x54: {  	_ =	shalt  }
0x55: {  	_ =	shalt  }
0x56: {  	_ =	shalt  }
0x57: {  	_ =	shalt  }
0x58: {  	_ =	shalt  }
0x59: {  	_ =	shalt  }
0x5a: {  	_ =	shalt  }
0x5b: {  	_ =	shalt  }
0x5c: {  	_ =	shalt  }
0x5d: {  	_ =	shalt  }
0x5e: {  	_ =	shalt  }
0x5f: {  	_ =	shalt  }
0x60: {  	_ =	shalt  }
0x61: {  	_ =	shalt  }
0x62: {  	_ =	shalt  }
0x63: {  	_ =	shalt  }
0x64: {  	_ =	shalt  }
0x65: {  	_ =	shalt  }
0x66: {  	_ =	shalt  }
0x67: {  	_ =	shalt  }
0x68: {  	_ =	shalt  }
0x69: {  	_ =	shalt  }
0x6a: {  	_ =	shalt  }
0x6b: {  	_ =	shalt  }
0x6c: {  	_ =	shalt  }
0x6d: {  	_ =	shalt  }
0x6e: {  	_ =	shalt  }
0x6f: {  	_ =	shalt  }
0x70: {  	_ =	shalt  }
0x71: {  	_ =	shalt  }
0x72: {  	_ =	shalt  }
0x73: {  	_ =	shalt  }
0x74: {  	_ =	shalt  }
0x75: {  	_ =	shalt  }
0x76: {  	_ =	shalt  }
0x77: {  	_ =	shalt  }
0x78: {  	_ =	shalt  }
0x79: {  	_ =	shalt  }
0x7a: {  	_ =	shalt  }
0x7b: {  	_ =	shalt  }
0x7c: {  	_ =	shalt  }
0x7d: {  	_ =	shalt  }
0x7e: {  	_ =	shalt  }
0x7f: {  	_ =	shalt  }
0x80: {  	_ =	shalt  }
0x81: {  	_ =	shalt  }
0x82: {  	_ =	shalt  }
0x83: {  	_ =	shalt  }
0x84: {  	_ =	shalt  }
0x85: {  	_ =	shalt  }
0x86: {  	_ =	shalt  }
0x87: {  	_ =	shalt  }
.Lfunc_end0:
.L_simem_size_0:
called_computation_lowered:
.L_overlay_start_0:
0x88: {  	s2 =	sld [smem:$0x3FD9]  }
0x89: {  	s3 =	sld [smem:$0x3FFE];
	_ =	sdelay $0x1  }
0x8a: {  	s1 =	srdreg.scid  }
0x8b: {  	s0 =	sand.u32 $0x1, s1  }
0x8c: {  	s16 =	sshll.u32 s0, $0xA;
	s2 =	sadd.s32 s3, s2  }
0x8d: {  	s2 =	sadd.s32 s2, s16  }
0x8e: {  	[smem:$0x3FC2] =	sst s2  }
0x8f: {  	_ = 	snop  }
0x90: {  	(tm) =	ssettm $0x1  }
0x91: {  	s17 =	sld [smem:$0x3FFB];
	_ =	sdelay $0x3  }
0x92: {  	_ =	strace s17  }
0x93: {  	s2 =	sld [smem:$0x3FFC];
	_ =	sdelay $0x3  }
0x94: {  	_ =	strace s2  }
0x95: {  	s2 =	sld [smem:$0x3FFD];
	_ =	sdelay $0x3  }
0x96: {  	_ =	strace s2  }
0x97: {  	_ =	strace $0x8FFFFFFF  }
0x98: {  	s18 =	sld [smem:$0x3FDB];
	_ =	sdelay $0x1  }
0x99: {  	s19 =	simm.s32 $_scs_section_size  }
0x9a: {  	s4 =	simm.s32 $_size__tile_overlayer_lowered;
	s5 =	simm.s32 $_tile_overlayer_lowered  }
0x9b: {  	s22 =	simm.s32 $0x1BFF;
	s21 =	sshll.u32 s5, $0x1;
	s2 =	sadd.s32 s19, s18  }
0x9c: {  	s6 =	simm.s32 $0x0;
	s20 =	sshll.u32 s4, $0x1;
	s4 =	sadd.s32 s21, s2  }
0x9d: {  	[timem:s6], [sflag:s22] =	dma.local [hbm:s4], s20  }
0x9e: {  	_ =	swait.ge [sflag:s22], s20  }
0x9f: {  	s3 =	ssub.s32 $0x0, s20;
	[sflag:s22] =	ssyncset.done $0x0  }
0xa0: {  	[sflag:s22] =	ssyncadd.s32 s3;
	_ =	sdelay $0x1  }
0xa1: {  	s23 =	simm.s32 $0x1B8B  }
0xa2: {  	_ =	swait.ge [sflag:s23], $0x1  }
0xa3: {  	[sflag:s23] =	ssyncset.done $0x0  }
0xa4: {  	s25 =	simm.s32 $0x1B8E;
	s24 =	sld [smem:$0x3FFE];
	[sflag:s23] =	ssyncadd.s32 $0xFFFFFFFF  }
0xa5: {  	s26 =	simm.s32 $execute0_lowered;
	[smem:$0x3FD2] =	sst s25  }
0xa6: {  	s4 =	sshll.u32 s26, $0x1;
	_ =	strace $0x80000046;
	[dreg:$0x1] =	wrdreg $0xFFFFFFFF  }
0xa7: {  	s28 =	simm.s32 $_size_execute0_lowered;
	s2 =	sadd.s32 s2, s4;
	[dreg:$0x0] =	wrdreg $0x0  }
0xa8: {  	s4 =	sshll.u32 s28, $0x1;
	[dreg:$0x2] =	wrdreg s2  }
0xa9: {  	[dreg:$0x3] =	wrdreg s4  }
0xaa: {  	[dreg:$0x4] =	wrdreg $0xC0  }
0xab: {  	_ =	task [dreg:s6], $0x5FFFF  }
0xac: {  	[dreg:$0x1] =	wrdreg $0xFFFFFFFF  }
0xad: {  	[dreg:$0x0] =	wrdreg $0x60  }
0xae: {  	[dreg:$0x2] =	wrdreg s24  }
0xaf: {  	[dreg:$0x3] =	wrdreg $0x58000  }
0xb0: {  	[dreg:$0x4] =	wrdreg $0x9  }
0xb1: {  	_ =	task.clear_ibuf [dreg:s6], $0x5FFFF;
	_ =	strace $0x90000046  }
0xb2: {  	s29 =	simm.s32 $0x9;
	_ =	strace $0x80000048  }
0xb3: {  	_ =	swait.ge [sflag:s29], $0x1  }
0xb4: {  	[sflag:s29] =	ssyncadd.s32 $0xFFFFFFFF  }
0xb5: {  	_ =	strace $0x90000048  }
0xb6: {  	_ =	sfence  }
0xb7: {  	s30 =	sld [smem:$0x0];
	_ =	sdelay $0x2  }
0xb8: {  	s31 =	sshll.u32 s1, $0xD;
	s1 =	sshrl.u32 s1, $0x2  }
0xb9: {  	s3 =	sand.u32 $0x4000, s31;
	s1 =	sadd.s32 s1, s30  }
0xba: {  	s0 =	sor.u32 s3, s0;
	s1 =	sshll.u32 s1, $0x11  }
0xbb: {  	s0 =	sor.u32 s1, s0  }
0xbc: {  	s0 =	sadd.s32 $0x8F2B, s0  }
0xbd: {  	[sflag:s0] =	ssyncadd.remote.s32 $0x1  }
0xbe: {  	_ =	sfence.sel $0xFFFF  }
0xbf: {  	[dreg:$0x0] =	wrdreg $0xFFFFFFFF;
	(pc) =	sbr.abs _section_cstart, $3  }
0xc0: {  	[dreg:$0x1] =	wrdreg $0xFFFFFFFF  }
0xc1: {  	_ =	task.clear_ibuf [dreg:s6], $0x2FFFF;
	_ =	strace $0x9FFFFFFF  }
0xc2: {  	(tm) =	ssettm $0x7FFFFFFF  }
0xc3: {  	_ =	shalt  }
tec
execute0_lowered:
.L_overlay_start_1:
0x0: {  	(tag) =	ssettag $0x1  }
0x1: {  	s0 =	stileid.u32;
	s5 =	rddreg [dreg:$0x0]  }
0x2: {  	s1 =	srdreg.scid;
	s2 =	rddreg [dreg:$0x1];
	s15 =	simm.s32 $0x400  }
0x3: {  	s16 =	simm.s32 $0x1;
	s17 =	simm.s32 $0x0;
	s3 =	smul.u32 $0x6, s0  }
0x4: {  	s6 =	sand.u32 $0x1, s1;
	s8 =	smul.u32 $0xE, s0;
	s1 =	rddreg [dreg:$0x2]  }
0x5: {  	s7 =	smul.u32 $0x1400, s0;
	s29 =	sshll.u32 s0, $0x6;
	p0 =	seq.s32 s6, $0x0  }
0x6: {  	s10 =	smul.u32 $0x14000, s6;
	s6 =	ssub.s32 $0x2, s6;
	s3 =	sadd.s32 $0xE0, s3  }
0x7: {  	s12 =	sshrl.u32 s7, $0x3;
	s13 =	sshrl.u32 s6, $0x1;
	s14 =	sadd.s32 s7, s2  }
0x8: {  	s8 =	smov.u32 @p0 s3;
	s3 =	simm.s32 $0x0;
	s10 =	sadd.s32 s7, s10  }
0x9: {  	s12 =	sadd.s32 s12, s5;
	s13 =	ssub.s32 s6, s13;
	s6 =	sor.u32 $0x1C02, s29  }
0xa: {  	s7 =	simm.s32 $0x6;
	s9 =	smin.u32 s8, $0x132;
	[smem:$0x7FF] =	sst s3  }
0xb: {  	s10 =	sshrl.u32 s10, $0x3;
	s30 =	sshll.u32 s8, $0xC;
	s7 =	simm.s32 @!p0 $0xE  }
0xc: {  	s4 =	sshll.u32 s9, $0x7;
	_ =	strace $0x80000047;
	s10 =	sadd.s32 s10, s5  }
0xd: {  	s9 =	sshll.u32 s9, $0xC;
	s11 =	sadd.s32 s4, s5;
	s4 =	sadd.s32 $0xB000, s5  }
0xe: {  	s5 =	sadd.s32 $0xB400, s12;
	s31 =	ssub.s32 s30, s9;
	s9 =	sadd.s32 $0xDC00, s10  }
0xf: {  	s10 =	smax.u32 s13, $0x1;
	s12 =	sshrl.u32 s14, $0x3;
	s13 =	simm.s32 $0x2  }
0x10: {  	s14 =	simm.s32 $0x3800;
	s8 =	sadd.s32 $0x1000, s11;
	s11 =	sshra.s32 s31, $0x2  }
.LBB2_1:
0x11: {  	[spmem:s12], [sflag:s6] =	dma.local [hbm:s5], $0x280  }
0x12: {  	_ =	swait.ge [sflag:s13], $0x280  }
0x13: {  	[sflag:s13] =	ssyncset.done $0x0  }
0x14: {  	[sflag:s13] =	ssyncadd.s32 $0xFFFFFD80  }
0x15: {  	[tilespmem:s3], [sflag:$0x2] =	stream.linear.gather [hbm4b:s8+s3], $0x3800, $0x38;
	[tilespmem:$0x6C00] =	vst v63  }
0x16: {  	_ =	swait.ge [sflag:s13], $0x3800  }
0x17: {  	[sflag:s13] =	ssyncset.done $0x0  }
0x18: {  	p0 =	sne.s32 s7, $0x1;
	[sflag:s13] =	ssyncadd.s32 $0xFFFFC800  }
0x19: {  	[tilespmem:s14], [sflag:$0x2] =	stream.linear.gather [hbm4b:s4+s3], $0x2000, $0x38;
	[tilespmem:$0x6C00] =	vst v63  }
.Ltmp0:
0x1a: {  	_ =	swait.ge [sflag:s13], $0x2000;
	(pc) =	sbr.rel @!p0 .LBB2_3-.Ltmp0, $4  }
0x1b: {  	[sflag:s13] =	ssyncset.done $0x0  }
0x1c: {  	[sflag:s13] =	ssyncadd.s32 $0xFFFFE000  }
0x1d: {  	s18 =	sadd.s32 $0xFFFFFFFF, s7;
	s19 =	smov.u32 s11;
	[bflag:$0x0] =	sbarrier.arrive $0xFFFF  }
0x1e: {  	[spmem:s2] =	stream.indirect.scatter.add.f32 [tilespmem:s14], [sflag:$0x1], $0x8, s11, s15, $0xb8;
	[tilespmem:$0x6C00] =	vst v63  }
.LBB2_2:
0x1f: {  	p1 =	sne.s32 s18, $0x1  }
.Ltmp1:
0x20: {  	_ = 	snop;
	(pc) =	sbr.rel @p1 .LBB2_2-.Ltmp1, $3  }
0x21: {  	_ = 	snop  }
0x22: {  	s18 =	sadd.s32 $0xFFFFFFFF, s18;
	s19 =	sadd.s32 $0x400, s19;
	_ =	sdelay $0x1  }
0x23: {  	[spmem:s2] =	stream.indirect.scatter.add.f32 [tilespmem:s14], [sflag:$0x1], $0x8, s19, s15, $0xb8;
	[tilespmem:$0x6C00] =	vst v63  }
.LBB2_3:
.Ltmp2:
0x24: {  	(pc) =	sbr.rel @!p0 .LBB2_5-.Ltmp2, $3  }
0x25: {  	_ =	sdelay $0x1  }
0x26: {  	_ =	swait.ge [sflag:s16], $0x2000  }
0x27: {  	s18 =	sadd.s32 $0xFFFFFFFF, s7;
	[sflag:s16] =	ssyncset.done $0x0  }
.LBB2_4:
0x28: {  	p0 =	sne.s32 s18, $0x1;
	s18 =	sadd.s32 $0xFFFFFFFF, s18;
	[sflag:s16] =	ssyncadd.s32 $0xFFFFE000  }
.Ltmp3:
0x29: {  	(pc) =	sbr.rel @p0 .LBB2_4-.Ltmp3, $3  }
0x2a: {  	_ =	sdelay $0x1  }
0x2b: {  	_ =	swait.ge [sflag:s16], $0x2000  }
0x2c: {  	[sflag:s16] =	ssyncset.done $0x0  }
.LBB2_5:
0x2d: {  	s17 =	sadd.s32 $0x1, s17  }
0x2e: {  	[sflag:s16] =	ssyncadd.s32 $0xFFFFE000;
	p0 =	sne.s32 s17, s10  }
.Ltmp4:
0x2f: {  	[bflag:$0x0] =	sbarrier.arrive $0xFFFF;
	(pc) =	sbr.rel @p0 .LBB2_1-.Ltmp4, $4  }
0x30: {  	[hbm:s9], [sflag:s6] =	dma.local [spmem:s12], $0x280  }
0x31: {  	_ =	swait.ge [sflag:s13], $0x280  }
0x32: {  	[sflag:s13] =	ssyncset.done $0x0  }
0x33: {  	[sflag:s13] =	ssyncadd.s32 $0xFFFFFD80  }
0x34: {  	_ =	sfence.sel $0x180000  }
0x35: {  	[bflag:$0x0] =	sbarrier.arrive $0xFFFF  }
0x36: {  	p0 =	sne.s32 s0, $0x0;
	_ =	strace $0x90000047  }
0x37: {  	s0 =	sadd.s32 @!p0 $0x100000, s1;
	[bflag:$0x2] =	sbarrier.arrive $0xFFFF  }
0x38: {  	[sflag:s0] =	ssyncadd.tile.s32 @!p0 $0x1;
	_ =	shalt  }
.Lfunc_end2:
_tile_overlayer_lowered:
.L_overlay_start_2:
0x39: {  	(tag) =	ssettag $0x2  }
0x3a: {  	s0 =	rddreg [dreg:$0x0];
	s2 =	stileid.u32  }
0x3b: {  	s1 =	rddreg [dreg:$0x1];
	p0 =	sne.s32 s2, $0x0  }
0x3c: {  	s3 =	rddreg [dreg:$0x2];
	[bflag:$0x3] =	sbarrier.arrive $0xFFFF;
	s2 =	simm.s32 @!p0 $0x1C02  }
0x3d: {  	[timem:s3], [sflag:s2] =	dma.local @!p0 [hbm:s0], s1  }
0x3e: {  	s0 =	simm.s32 @!p0 $0x2  }
0x3f: {  	_ =	swait.ge @!p0 [sflag:s0], s1  }
0x40: {  	s1 =	ssub.s32 @!p0 $0x0, s1;
	[sflag:s0] =	ssyncset.done @!p0 $0x0  }
0x41: {  	[sflag:s0] =	ssyncadd.s32 @!p0 s1  }
0x42: {  	[bflag:$0x3] =	sbarrier.arrive $0xFFFF  }
0x43: {  	_ =	shalt  }

</sc_bundles>
